<compile_context>
chip_gen: v7x
topology: tpu7x:2x2x1
jax: 0.10.2.dev20260603
libtpu: 0.0.44.dev20260713+nightly
codegen_flags: <defaults>
</compile_context>

<pallas_src>
import functools

import jax
import jax.numpy as jnp
from jax import lax
from jax.experimental import pallas as pl
from jax.experimental.pallas import tpu as pltpu
from jax.experimental.pallas import tpu_sc as plsc

BATCH = 16384
VOCAB = 1000000
EMBED = 32
HID = 10
HPAD = 16
PGRP = 8
CMOD = 131072
SBLK = 8192
SGRID = CMOD // SBLK
LASTB = (VOCAB - 1) // SBLK

NC = 2
NS = 16
NW = NC * NS
BPW = BATCH // NW
CHUNK = 128
NCHUNK = BPW // CHUNK


def _scan_body(*refs):
    ins = refs[:2 * PGRP]
    wc, bc, wp, bp_, oc_ref, op_ref = refs[2 * PGRP:]
    f32 = jnp.float32
    blk = jnp.minimum(SGRID * (PGRP - 1) + pl.program_id(0), LASTB)
    lane = jax.lax.broadcasted_iota(jnp.int32, (1, SBLK), 1)
    ok = (blk * SBLK + lane) < VOCAB

    def piece(r, j):
        x = r[...]
        return jnp.where(ok, x, 0.0) if j == PGRP - 1 else x

    xc = jnp.concatenate([piece(ins[j], j) for j in range(PGRP)], axis=0)
    xp = jnp.concatenate([piece(ins[PGRP + j], j) for j in range(PGRP)],
                         axis=0)
    dn = (((0,), (0,)), ((), ()))
    bf = jnp.bfloat16
    zc = lax.dot_general(xc.astype(bf), wc[...].astype(bf), dn,
                         preferred_element_type=f32)
    zp = lax.dot_general(xp.astype(bf), wp[...].astype(bf), dn,
                         preferred_element_type=f32)
    oc_ref[...] = jnp.maximum(zc + bc[...], 0.0)
    op_ref[...] = jnp.maximum(zp + bp_[...], 0.0)


def _scan(custT, prodT, Wbig_c, bbig_c, Wbig_p, bbig_p):
    in_specs = []
    for t in range(2):
        for j in range(PGRP):
            in_specs.append(pl.BlockSpec(
                (EMBED, SBLK),
                lambda i, j=j: (0, jnp.minimum(SGRID * j + i, LASTB))))
    full = lambda a: pl.BlockSpec(a.shape, lambda i: (0, 0))
    in_specs += [full(Wbig_c), full(bbig_c), full(Wbig_p), full(bbig_p)]
    out_spec = pl.BlockSpec((SBLK, PGRP * HPAD), lambda i: (i, 0))
    return pl.pallas_call(
        _scan_body,
        grid=(SGRID,),
        in_specs=in_specs,
        out_specs=[out_spec, out_spec],
        out_shape=[
            jax.ShapeDtypeStruct((CMOD, PGRP * HPAD), jnp.float32),
            jax.ShapeDtypeStruct((CMOD, PGRP * HPAD), jnp.float32),
        ],
        compiler_params=pltpu.CompilerParams(
            dimension_semantics=("parallel",),
            vmem_limit_bytes=60 * 1024 * 1024),
    )(*([custT] * PGRP + [prodT] * PGRP + [Wbig_c, bbig_c, Wbig_p, bbig_p]))


def _sc_gather(zc, zp, ip, ic):
    mesh = plsc.VectorSubcoreMesh(core_axis_name="c", subcore_axis_name="s")
    BLK = PGRP * HPAD

    @functools.partial(
        pl.kernel,
        mesh=mesh,
        out_type=[
            jax.ShapeDtypeStruct((BATCH, BLK), jnp.float32),
            jax.ShapeDtypeStruct((BATCH, BLK), jnp.float32),
        ],
        scratch_types=[
            pltpu.VMEM((NCHUNK, CHUNK), jnp.int32),
            pltpu.VMEM((NCHUNK, CHUNK), jnp.int32),
            pltpu.VMEM((CHUNK, BLK), jnp.float32),
            pltpu.VMEM((CHUNK, BLK), jnp.float32),
            pltpu.VMEM((CHUNK, BLK), jnp.float32),
            pltpu.VMEM((CHUNK, BLK), jnp.float32),
            pltpu.SemaphoreType.DMA,
            pltpu.SemaphoreType.DMA,
            pltpu.SemaphoreType.DMA,
            pltpu.SemaphoreType.DMA,
        ],
    )
    def k(zc_hbm, zp_hbm, ip_hbm, ic_hbm, oc_hbm, op_hbm,
          ipv, icv, pv0, pv1, cv0, cv1, sp0, sp1, sc0, sc1):
        wid = lax.axis_index("s") * NC + lax.axis_index("c")
        base = wid * BPW
        pltpu.sync_copy(ip_hbm.at[wid], ipv)
        pltpu.sync_copy(ic_hbm.at[wid], icv)
        pbuf, cbuf = (pv0, pv1), (cv0, cv1)
        psem, csem = (sp0, sp1), (sc0, sc1)

        def start(j):
            s = j & 1
            return (
                pltpu.async_copy(zc_hbm.at[ipv.at[j]], pbuf[s], psem[s]),
                pltpu.async_copy(zp_hbm.at[icv.at[j]], cbuf[s], csem[s]),
            )

        cps = [start(0)]
        for j in range(NCHUNK):
            if j + 1 < NCHUNK:
                cps.append(start(j + 1))
            cps[j][0].wait()
            cps[j][1].wait()
            s = j & 1
            dst = pl.ds(base + j * CHUNK, CHUNK)
            pltpu.sync_copy(pbuf[s], oc_hbm.at[dst])
            pltpu.sync_copy(cbuf[s], op_hbm.at[dst])

    return k(zc, zp, ip, ic)


_MLP_BS = 2048


def _mlp_body(gp_ref, gc_ref, pp_ref, pc_ref, w2a, w2b, b2, wo, bo, o_ref):
    f32 = jnp.float32
    lanegrp = jax.lax.broadcasted_iota(jnp.int32, (1, PGRP * HPAD), 1) // HPAD
    gpm = gp_ref[...].astype(f32) * (lanegrp == pp_ref[...]).astype(f32)
    gcm = gc_ref[...].astype(f32) * (lanegrp == pc_ref[...]).astype(f32)
    h2 = jnp.maximum(
        jnp.dot(gpm, w2a[...], preferred_element_type=f32)
        + jnp.dot(gcm, w2b[...], preferred_element_type=f32) + b2[...], 0.0)
    z = jnp.dot(h2, wo[...], preferred_element_type=f32) + bo[...]
    o_ref[...] = jax.nn.sigmoid(z)


def _mlp(gp, gc, pp, pc, W2a, W2b, b2, Wo, bo):
    grid = (BATCH // _MLP_BS,)
    full = lambda a: pl.BlockSpec(a.shape, lambda i: (0, 0))
    return pl.pallas_call(
        _mlp_body,
        grid=grid,
        in_specs=[
            pl.BlockSpec((_MLP_BS, PGRP * HPAD), lambda i: (i, 0)),
            pl.BlockSpec((_MLP_BS, PGRP * HPAD), lambda i: (i, 0)),
            pl.BlockSpec((_MLP_BS, 1), lambda i: (i, 0)),
            pl.BlockSpec((_MLP_BS, 1), lambda i: (i, 0)),
            full(W2a), full(W2b), full(b2), full(Wo), full(bo),
        ],
        out_specs=pl.BlockSpec((_MLP_BS, 1), lambda i: (i, 0)),
        out_shape=jax.ShapeDtypeStruct((BATCH, 1), jnp.float32),
    )(gp, gc, pp, pc, W2a, W2b, b2, Wo, bo)


def _bigw(W, b):
    W16 = jnp.pad(W, ((0, 0), (0, HPAD - HID)))
    b16 = jnp.pad(b, (0, HPAD - HID))
    Wbig = jnp.kron(jnp.eye(PGRP, dtype=jnp.float32), W16)
    bbig = jnp.tile(b16, PGRP).reshape(1, PGRP * HPAD)
    return Wbig, bbig


def kernel(X, encoded_customers, encoded_products, W_prod, b_prod,
           W_cust, b_cust, W_fc2, b_fc2, W_out, b_out):
    custT = encoded_customers.T
    prodT = encoded_products.T
    Wbig_c, bbig_c = _bigw(W_prod, b_prod)
    Wbig_p, bbig_p = _bigw(W_cust, b_cust)
    zc, zp = _scan(custT, prodT, Wbig_c, bbig_c, Wbig_p, bbig_p)

    rp = X[:, 0].astype(jnp.int32)
    rc = X[:, 1].astype(jnp.int32)
    ip = (rp & (CMOD - 1)).reshape(NW, NCHUNK, CHUNK)
    ic = (rc & (CMOD - 1)).reshape(NW, NCHUNK, CHUNK)
    pp = (rp >> 17).reshape(BATCH, 1)
    pc = (rc >> 17).reshape(BATCH, 1)

    gp, gc = _sc_gather(zc, zp, ip, ic)
    rep = lambda W: jnp.tile(jnp.pad(W, ((0, HPAD - HID), (0, 0))), (PGRP, 1))
    out = _mlp(
        gp, gc, pp, pc,
        rep(W_fc2[:HID]), rep(W_fc2[HID:]), b_fc2.reshape(1, HID),
        W_out, b_out.reshape(1, 1),
    )
    return out

# --- scband reference (transcript-rebuilt; emitter-appended) ---
"""Pipeline reference for scband-simple-nn-47184510714240 (READ-ONLY COPY).

The authoritative reference and input builder live on the scoring server;
editing this copy changes nothing except your own understanding.
"""

import jax, jax.numpy as jnp
import numpy as np

VOCAB = 1000000
EMBED = 32
BATCH = 16384


def setup_inputs(seed: int = 0) -> dict:
    key = jax.random.key(seed)
    ks = jax.random.split(key, 12)
    X = jax.random.randint(ks[0], (BATCH, 2), 0, VOCAB, dtype=jnp.int64 if jax.config.jax_enable_x64 else jnp.int32)
    encoded_customers = jax.random.normal(ks[1], (VOCAB, EMBED), dtype=jnp.float32) * 0.02
    encoded_products = jax.random.normal(ks[2], (VOCAB, EMBED), dtype=jnp.float32) * 0.02
    W_prod = jax.random.normal(ks[3], (EMBED, 10), dtype=jnp.float32) * (1.0 / np.sqrt(EMBED))
    b_prod = jnp.zeros((10,), dtype=jnp.float32)
    W_cust = jax.random.normal(ks[4], (EMBED, 10), dtype=jnp.float32) * (1.0 / np.sqrt(EMBED))
    b_cust = jnp.zeros((10,), dtype=jnp.float32)
    W_fc2 = jax.random.normal(ks[5], (20, 10), dtype=jnp.float32) * (1.0 / np.sqrt(20))
    b_fc2 = jnp.zeros((10,), dtype=jnp.float32)
    W_out = jax.random.normal(ks[6], (10, 1), dtype=jnp.float32) * (1.0 / np.sqrt(10))
    b_out = jnp.zeros((1,), dtype=jnp.float32)
    return {"X": X, "encoded_customers": encoded_customers, "encoded_products": encoded_products,
            "W_prod": W_prod, "b_prod": b_prod, "W_cust": W_cust, "b_cust": b_cust,
            "W_fc2": W_fc2, "b_fc2": b_fc2, "W_out": W_out, "b_out": b_out}


def reference(X, encoded_customers, encoded_products, W_prod, b_prod, W_cust, b_cust, W_fc2, b_fc2, W_out, b_out):
    product_id = X[:, 0]
    # NOTE: original module looks up product ids in the customers table (faithful translation)
    product_vec = jnp.take(encoded_customers, product_id, axis=0)
    customer_id = X[:, 1]
    customer_vec = jnp.take(encoded_products, customer_id, axis=0)
    p_hid = jax.nn.relu(product_vec @ W_prod + b_prod)
    c_hid = jax.nn.relu(customer_vec @ W_cust + b_cust)
    concatted = jnp.concatenate([p_hid, c_hid], axis=-1)
    hid2 = jax.nn.relu(concatted @ W_fc2 + b_fc2)
    out = jax.nn.sigmoid(hid2 @ W_out + b_out)
    return out

if __name__ == "__main__":
    import jax
    _d = setup_inputs()
    print(jax.jit(kernel)(*tuple(_d.values())))

</pallas_src>

<mosaic_0001>
#map = affine_map<(d0, d1) -> (0, 0)>
#map1 = affine_map<(d0, d1) -> (0, 0, 0)>
module attributes {stable_mosaic.version = 14 : i64} {
  func.func @k(%arg0: i32, %arg1: i32, %arg2: memref<131072x128xf32, #tpu.memory_space<hbm>>, %arg3: memref<131072x128xf32, #tpu.memory_space<hbm>>, %arg4: memref<32x4x128xi32, #tpu.memory_space<hbm>>, %arg5: memref<32x4x128xi32, #tpu.memory_space<hbm>>, %arg6: memref<16384x128xf32, #tpu.memory_space<hbm>>, %arg7: memref<16384x128xf32, #tpu.memory_space<hbm>>, %arg8: memref<4x128xi32, #tpu.memory_space<vmem>>, %arg9: memref<4x128xi32, #tpu.memory_space<vmem>>, %arg10: memref<128x128xf32, #tpu.memory_space<vmem>>, %arg11: memref<128x128xf32, #tpu.memory_space<vmem>>, %arg12: memref<128x128xf32, #tpu.memory_space<vmem>>, %arg13: memref<128x128xf32, #tpu.memory_space<vmem>>, %arg14: memref<!tpu.dma_semaphore, #tpu.memory_space<semaphore_mem>>, %arg15: memref<!tpu.dma_semaphore, #tpu.memory_space<semaphore_mem>>, %arg16: memref<!tpu.dma_semaphore, #tpu.memory_space<semaphore_mem>>, %arg17: memref<!tpu.dma_semaphore, #tpu.memory_space<semaphore_mem>>) attributes {dimension_semantics = [#tpu.dimension_semantics<core_parallel>, #tpu.dimension_semantics<subcore_parallel>], iteration_bounds = array<i64: 2, 16>, scalar_prefetch = 0 : i64, scratch_operands = 10 : i64, tpu.core_type = #tpu.core_type<sc_vector_subcore>, window_params = [{transform_indices = #map}, {transform_indices = #map}, {transform_indices = #map1}, {transform_indices = #map1}, {transform_indices = #map}, {transform_indices = #map}]} {
    %mul3A = arith.constant 2 : i32
    %mul3A_0 = arith.muli %arg1, %mul3A : i32
    %add3A = arith.addi %mul3A_0, %arg0 : i32
    %mul3A_1 = arith.constant 512 : i32
    %mul3A_2 = arith.muli %add3A, %mul3A_1 : i32
    "tpu.region"() ({
      %run_scoped3A = tpu.sem_alloc : memref<!tpu.dma_semaphore, #tpu.memory_space<semaphore_mem>>
      %dma_start3A_121 = arith.constant 0 : i32
      %dma_start3A_122 = arith.constant 0 : i32
      %dma_start3A_123 = tpu.memref_slice %arg4[%add3A, %dma_start3A_121, %dma_start3A_122] : memref<32x4x128xi32, #tpu.memory_space<hbm>> -> memref<1x4x128xi32, #tpu.memory_space<hbm>>
      %dma_start3A_124 = tpu.memref_squeeze %dma_start3A_123 : memref<1x4x128xi32, #tpu.memory_space<hbm>> -> memref<4x128xi32, #tpu.memory_space<hbm>>
      %dma_start3A_125 = arith.constant 0 : i32
      %dma_start3A_126 = arith.constant 0 : i32
      %dma_start3A_127 = tpu.memref_slice %arg4[%add3A, %dma_start3A_125, %dma_start3A_126] : memref<32x4x128xi32, #tpu.memory_space<hbm>> -> memref<1x4x128xi32, #tpu.memory_space<hbm>>
      %dma_start3A_128 = tpu.memref_squeeze %dma_start3A_127 : memref<1x4x128xi32, #tpu.memory_space<hbm>> -> memref<4x128xi32, #tpu.memory_space<hbm>>
      tpu.enqueue_dma source(%dma_start3A_128 : memref<4x128xi32, #tpu.memory_space<hbm>>) target(%arg8 : memref<4x128xi32, #tpu.memory_space<vmem>>) target_semaphore(%run_scoped3A : memref<!tpu.dma_semaphore, #tpu.memory_space<semaphore_mem>>)
      %dma_wait3A_129 = arith.constant 0 : i32
      %dma_wait3A_130 = arith.constant 0 : i32
      %dma_wait3A_131 = tpu.memref_slice %arg4[%add3A, %dma_wait3A_129, %dma_wait3A_130] : memref<32x4x128xi32, #tpu.memory_space<hbm>> -> memref<1x4x128xi32, #tpu.memory_space<hbm>>
      %dma_wait3A_132 = tpu.memref_squeeze %dma_wait3A_131 : memref<1x4x128xi32, #tpu.memory_space<hbm>> -> memref<4x128xi32, #tpu.memory_space<hbm>>
      %dma_wait3A_133 = arith.constant 0 : i32
      %dma_wait3A_134 = arith.constant 0 : i32
      %dma_wait3A_135 = tpu.memref_slice %arg4[%add3A, %dma_wait3A_133, %dma_wait3A_134] : memref<32x4x128xi32, #tpu.memory_space<hbm>> -> memref<1x4x128xi32, #tpu.memory_space<hbm>>
      %dma_wait3A_136 = tpu.memref_squeeze %dma_wait3A_135 : memref<1x4x128xi32, #tpu.memory_space<hbm>> -> memref<4x128xi32, #tpu.memory_space<hbm>>
      tpu.wait_dma2 semaphore(%run_scoped3A : memref<!tpu.dma_semaphore, #tpu.memory_space<semaphore_mem>>) src(%dma_wait3A_136 : memref<4x128xi32, #tpu.memory_space<hbm>>) dst(%arg8 : memref<4x128xi32, #tpu.memory_space<vmem>>)
      tpu.yield
    }) : () -> ()
    "tpu.region"() ({
      %run_scoped3A = tpu.sem_alloc : memref<!tpu.dma_semaphore, #tpu.memory_space<semaphore_mem>>
      %dma_start3A_121 = arith.constant 0 : i32
      %dma_start3A_122 = arith.constant 0 : i32
      %dma_start3A_123 = tpu.memref_slice %arg5[%add3A, %dma_start3A_121, %dma_start3A_122] : memref<32x4x128xi32, #tpu.memory_space<hbm>> -> memref<1x4x128xi32, #tpu.memory_space<hbm>>
      %dma_start3A_124 = tpu.memref_squeeze %dma_start3A_123 : memref<1x4x128xi32, #tpu.memory_space<hbm>> -> memref<4x128xi32, #tpu.memory_space<hbm>>
      %dma_start3A_125 = arith.constant 0 : i32
      %dma_start3A_126 = arith.constant 0 : i32
      %dma_start3A_127 = tpu.memref_slice %arg5[%add3A, %dma_start3A_125, %dma_start3A_126] : memref<32x4x128xi32, #tpu.memory_space<hbm>> -> memref<1x4x128xi32, #tpu.memory_space<hbm>>
      %dma_start3A_128 = tpu.memref_squeeze %dma_start3A_127 : memref<1x4x128xi32, #tpu.memory_space<hbm>> -> memref<4x128xi32, #tpu.memory_space<hbm>>
      tpu.enqueue_dma source(%dma_start3A_128 : memref<4x128xi32, #tpu.memory_space<hbm>>) target(%arg9 : memref<4x128xi32, #tpu.memory_space<vmem>>) target_semaphore(%run_scoped3A : memref<!tpu.dma_semaphore, #tpu.memory_space<semaphore_mem>>)
      %dma_wait3A_129 = arith.constant 0 : i32
      %dma_wait3A_130 = arith.constant 0 : i32
      %dma_wait3A_131 = tpu.memref_slice %arg5[%add3A, %dma_wait3A_129, %dma_wait3A_130] : memref<32x4x128xi32, #tpu.memory_space<hbm>> -> memref<1x4x128xi32, #tpu.memory_space<hbm>>
      %dma_wait3A_132 = tpu.memref_squeeze %dma_wait3A_131 : memref<1x4x128xi32, #tpu.memory_space<hbm>> -> memref<4x128xi32, #tpu.memory_space<hbm>>
      %dma_wait3A_133 = arith.constant 0 : i32
      %dma_wait3A_134 = arith.constant 0 : i32
      %dma_wait3A_135 = tpu.memref_slice %arg5[%add3A, %dma_wait3A_133, %dma_wait3A_134] : memref<32x4x128xi32, #tpu.memory_space<hbm>> -> memref<1x4x128xi32, #tpu.memory_space<hbm>>
      %dma_wait3A_136 = tpu.memref_squeeze %dma_wait3A_135 : memref<1x4x128xi32, #tpu.memory_space<hbm>> -> memref<4x128xi32, #tpu.memory_space<hbm>>
      tpu.wait_dma2 semaphore(%run_scoped3A : memref<!tpu.dma_semaphore, #tpu.memory_space<semaphore_mem>>) src(%dma_wait3A_136 : memref<4x128xi32, #tpu.memory_space<hbm>>) dst(%arg9 : memref<4x128xi32, #tpu.memory_space<vmem>>)
      tpu.yield
    }) : () -> ()
    %dma_start3A = arith.constant 0 : i32
    %dma_start3A_3 = arith.constant 0 : i32
    %dma_start3A_4 = tpu.memref_slice %arg8[%dma_start3A, %dma_start3A_3] : memref<4x128xi32, #tpu.memory_space<vmem>> -> memref<1x128xi32, #tpu.memory_space<vmem>>
    %dma_start3A_5 = tpu.memref_squeeze %dma_start3A_4 : memref<1x128xi32, #tpu.memory_space<vmem>> -> memref<128xi32, #tpu.memory_space<vmem>>
    %dma_start3A_6 = arith.constant 0 : i32
    %dma_start3A_7 = arith.constant 0 : i32
    %dma_start3A_8 = tpu.memref_slice %arg2[%dma_start3A_6, %dma_start3A_7] : memref<131072x128xf32, #tpu.memory_space<hbm>> -> memref<131072x128xf32, #tpu.memory_space<hbm>>
    tpu.enqueue_indirect_dma source(%dma_start3A_8 : memref<131072x128xf32, #tpu.memory_space<hbm>>) target(%arg10 : memref<128x128xf32, #tpu.memory_space<vmem>>) offsets(%dma_start3A_5 : memref<128xi32, #tpu.memory_space<vmem>>) semaphore(%arg14 : memref<!tpu.dma_semaphore, #tpu.memory_space<semaphore_mem>>)
    %dma_start3A_9 = arith.constant 0 : i32
    %dma_start3A_10 = arith.constant 0 : i32
    %dma_start3A_11 = tpu.memref_slice %arg9[%dma_start3A_9, %dma_start3A_10] : memref<4x128xi32, #tpu.memory_space<vmem>> -> memref<1x128xi32, #tpu.memory_space<vmem>>
    %dma_start3A_12 = tpu.memref_squeeze %dma_start3A_11 : memref<1x128xi32, #tpu.memory_space<vmem>> -> memref<128xi32, #tpu.memory_space<vmem>>
    %dma_start3A_13 = arith.constant 0 : i32
    %dma_start3A_14 = arith.constant 0 : i32
    %dma_start3A_15 = tpu.memref_slice %arg3[%dma_start3A_13, %dma_start3A_14] : memref<131072x128xf32, #tpu.memory_space<hbm>> -> memref<131072x128xf32, #tpu.memory_space<hbm>>
    tpu.enqueue_indirect_dma source(%dma_start3A_15 : memref<131072x128xf32, #tpu.memory_space<hbm>>) target(%arg12 : memref<128x128xf32, #tpu.memory_space<vmem>>) offsets(%dma_start3A_12 : memref<128xi32, #tpu.memory_space<vmem>>) semaphore(%arg16 : memref<!tpu.dma_semaphore, #tpu.memory_space<semaphore_mem>>)
    %dma_start3A_16 = arith.constant 1 : i32
    %dma_start3A_17 = arith.constant 0 : i32
    %dma_start3A_18 = tpu.memref_slice %arg8[%dma_start3A_16, %dma_start3A_17] : memref<4x128xi32, #tpu.memory_space<vmem>> -> memref<1x128xi32, #tpu.memory_space<vmem>>
    %dma_start3A_19 = tpu.memref_squeeze %dma_start3A_18 : memref<1x128xi32, #tpu.memory_space<vmem>> -> memref<128xi32, #tpu.memory_space<vmem>>
    %dma_start3A_20 = arith.constant 0 : i32
    %dma_start3A_21 = arith.constant 0 : i32
    %dma_start3A_22 = tpu.memref_slice %arg2[%dma_start3A_20, %dma_start3A_21] : memref<131072x128xf32, #tpu.memory_space<hbm>> -> memref<131072x128xf32, #tpu.memory_space<hbm>>
    tpu.enqueue_indirect_dma source(%dma_start3A_22 : memref<131072x128xf32, #tpu.memory_space<hbm>>) target(%arg11 : memref<128x128xf32, #tpu.memory_space<vmem>>) offsets(%dma_start3A_19 : memref<128xi32, #tpu.memory_space<vmem>>) semaphore(%arg15 : memref<!tpu.dma_semaphore, #tpu.memory_space<semaphore_mem>>)
    %dma_start3A_23 = arith.constant 1 : i32
    %dma_start3A_24 = arith.constant 0 : i32
    %dma_start3A_25 = tpu.memref_slice %arg9[%dma_start3A_23, %dma_start3A_24] : memref<4x128xi32, #tpu.memory_space<vmem>> -> memref<1x128xi32, #tpu.memory_space<vmem>>
    %dma_start3A_26 = tpu.memref_squeeze %dma_start3A_25 : memref<1x128xi32, #tpu.memory_space<vmem>> -> memref<128xi32, #tpu.memory_space<vmem>>
    %dma_start3A_27 = arith.constant 0 : i32
    %dma_start3A_28 = arith.constant 0 : i32
    %dma_start3A_29 = tpu.memref_slice %arg3[%dma_start3A_27, %dma_start3A_28] : memref<131072x128xf32, #tpu.memory_space<hbm>> -> memref<131072x128xf32, #tpu.memory_space<hbm>>
    tpu.enqueue_indirect_dma source(%dma_start3A_29 : memref<131072x128xf32, #tpu.memory_space<hbm>>) target(%arg13 : memref<128x128xf32, #tpu.memory_space<vmem>>) offsets(%dma_start3A_26 : memref<128xi32, #tpu.memory_space<vmem>>) semaphore(%arg17 : memref<!tpu.dma_semaphore, #tpu.memory_space<semaphore_mem>>)
    %dma_wait3A = arith.constant 0 : i32
    %dma_wait3A_30 = arith.constant 0 : i32
    %dma_wait3A_31 = tpu.memref_slice %arg8[%dma_wait3A, %dma_wait3A_30] : memref<4x128xi32, #tpu.memory_space<vmem>> -> memref<1x128xi32, #tpu.memory_space<vmem>>
    %dma_wait3A_32 = tpu.memref_squeeze %dma_wait3A_31 : memref<1x128xi32, #tpu.memory_space<vmem>> -> memref<128xi32, #tpu.memory_space<vmem>>
    %dma_wait3A_33 = arith.constant 0 : i32
    %dma_wait3A_34 = arith.constant 0 : i32
    %dma_wait3A_35 = tpu.memref_slice %arg2[%dma_wait3A_33, %dma_wait3A_34] : memref<131072x128xf32, #tpu.memory_space<hbm>> -> memref<131072x128xf32, #tpu.memory_space<hbm>>
    tpu.wait_indirect_dma semaphore(%arg14 : memref<!tpu.dma_semaphore, #tpu.memory_space<semaphore_mem>>) src(%dma_wait3A_35 : memref<131072x128xf32, #tpu.memory_space<hbm>>) dst(%arg10 : memref<128x128xf32, #tpu.memory_space<vmem>>)
    %dma_wait3A_36 = arith.constant 0 : i32
    %dma_wait3A_37 = arith.constant 0 : i32
    %dma_wait3A_38 = tpu.memref_slice %arg9[%dma_wait3A_36, %dma_wait3A_37] : memref<4x128xi32, #tpu.memory_space<vmem>> -> memref<1x128xi32, #tpu.memory_space<vmem>>
    %dma_wait3A_39 = tpu.memref_squeeze %dma_wait3A_38 : memref<1x128xi32, #tpu.memory_space<vmem>> -> memref<128xi32, #tpu.memory_space<vmem>>
    %dma_wait3A_40 = arith.constant 0 : i32
    %dma_wait3A_41 = arith.constant 0 : i32
    %dma_wait3A_42 = tpu.memref_slice %arg3[%dma_wait3A_40, %dma_wait3A_41] : memref<131072x128xf32, #tpu.memory_space<hbm>> -> memref<131072x128xf32, #tpu.memory_space<hbm>>
    tpu.wait_indirect_dma semaphore(%arg16 : memref<!tpu.dma_semaphore, #tpu.memory_space<semaphore_mem>>) src(%dma_wait3A_42 : memref<131072x128xf32, #tpu.memory_space<hbm>>) dst(%arg12 : memref<128x128xf32, #tpu.memory_space<vmem>>)
    %add3A_43 = arith.constant 0 : i32
    %add3A_44 = arith.addi %mul3A_2, %add3A_43 : i32
    "tpu.region"() ({
      %run_scoped3A = tpu.sem_alloc : memref<!tpu.dma_semaphore, #tpu.memory_space<semaphore_mem>>
      %dma_start3A_121 = arith.constant 0 : i32
      %dma_start3A_122 = tpu.memref_slice %arg6[%add3A_44, %dma_start3A_121] : memref<16384x128xf32, #tpu.memory_space<hbm>> -> memref<128x128xf32, #tpu.memory_space<hbm>>
      %dma_start3A_123 = arith.constant 0 : i32
      %dma_start3A_124 = tpu.memref_slice %arg6[%add3A_44, %dma_start3A_123] : memref<16384x128xf32, #tpu.memory_space<hbm>> -> memref<128x128xf32, #tpu.memory_space<hbm>>
      tpu.enqueue_dma source(%arg10 : memref<128x128xf32, #tpu.memory_space<vmem>>) target(%dma_start3A_124 : memref<128x128xf32, #tpu.memory_space<hbm>>) target_semaphore(%run_scoped3A : memref<!tpu.dma_semaphore, #tpu.memory_space<semaphore_mem>>)
      %dma_wait3A_125 = arith.constant 0 : i32
      %dma_wait3A_126 = tpu.memref_slice %arg6[%add3A_44, %dma_wait3A_125] : memref<16384x128xf32, #tpu.memory_space<hbm>> -> memref<128x128xf32, #tpu.memory_space<hbm>>
      %dma_wait3A_127 = arith.constant 0 : i32
      %dma_wait3A_128 = tpu.memref_slice %arg6[%add3A_44, %dma_wait3A_127] : memref<16384x128xf32, #tpu.memory_space<hbm>> -> memref<128x128xf32, #tpu.memory_space<hbm>>
      tpu.wait_dma2 semaphore(%run_scoped3A : memref<!tpu.dma_semaphore, #tpu.memory_space<semaphore_mem>>) src(%arg10 : memref<128x128xf32, #tpu.memory_space<vmem>>) dst(%dma_wait3A_128 : memref<128x128xf32, #tpu.memory_space<hbm>>)
      tpu.yield
    }) : () -> ()
    "tpu.region"() ({
      %run_scoped3A = tpu.sem_alloc : memref<!tpu.dma_semaphore, #tpu.memory_space<semaphore_mem>>
      %dma_start3A_121 = arith.constant 0 : i32
      %dma_start3A_122 = tpu.memref_slice %arg7[%add3A_44, %dma_start3A_121] : memref<16384x128xf32, #tpu.memory_space<hbm>> -> memref<128x128xf32, #tpu.memory_space<hbm>>
      %dma_start3A_123 = arith.constant 0 : i32
      %dma_start3A_124 = tpu.memref_slice %arg7[%add3A_44, %dma_start3A_123] : memref<16384x128xf32, #tpu.memory_space<hbm>> -> memref<128x128xf32, #tpu.memory_space<hbm>>
      tpu.enqueue_dma source(%arg12 : memref<128x128xf32, #tpu.memory_space<vmem>>) target(%dma_start3A_124 : memref<128x128xf32, #tpu.memory_space<hbm>>) target_semaphore(%run_scoped3A : memref<!tpu.dma_semaphore, #tpu.memory_space<semaphore_mem>>)
      %dma_wait3A_125 = arith.constant 0 : i32
      %dma_wait3A_126 = tpu.memref_slice %arg7[%add3A_44, %dma_wait3A_125] : memref<16384x128xf32, #tpu.memory_space<hbm>> -> memref<128x128xf32, #tpu.memory_space<hbm>>
      %dma_wait3A_127 = arith.constant 0 : i32
      %dma_wait3A_128 = tpu.memref_slice %arg7[%add3A_44, %dma_wait3A_127] : memref<16384x128xf32, #tpu.memory_space<hbm>> -> memref<128x128xf32, #tpu.memory_space<hbm>>
      tpu.wait_dma2 semaphore(%run_scoped3A : memref<!tpu.dma_semaphore, #tpu.memory_space<semaphore_mem>>) src(%arg12 : memref<128x128xf32, #tpu.memory_space<vmem>>) dst(%dma_wait3A_128 : memref<128x128xf32, #tpu.memory_space<hbm>>)
      tpu.yield
    }) : () -> ()
    %dma_start3A_45 = arith.constant 2 : i32
    %dma_start3A_46 = arith.constant 0 : i32
    %dma_start3A_47 = tpu.memref_slice %arg8[%dma_start3A_45, %dma_start3A_46] : memref<4x128xi32, #tpu.memory_space<vmem>> -> memref<1x128xi32, #tpu.memory_space<vmem>>
    %dma_start3A_48 = tpu.memref_squeeze %dma_start3A_47 : memref<1x128xi32, #tpu.memory_space<vmem>> -> memref<128xi32, #tpu.memory_space<vmem>>
    %dma_start3A_49 = arith.constant 0 : i32
    %dma_start3A_50 = arith.constant 0 : i32
    %dma_start3A_51 = tpu.memref_slice %arg2[%dma_start3A_49, %dma_start3A_50] : memref<131072x128xf32, #tpu.memory_space<hbm>> -> memref<131072x128xf32, #tpu.memory_space<hbm>>
    tpu.enqueue_indirect_dma source(%dma_start3A_51 : memref<131072x128xf32, #tpu.memory_space<hbm>>) target(%arg10 : memref<128x128xf32, #tpu.memory_space<vmem>>) offsets(%dma_start3A_48 : memref<128xi32, #tpu.memory_space<vmem>>) semaphore(%arg14 : memref<!tpu.dma_semaphore, #tpu.memory_space<semaphore_mem>>)
    %dma_start3A_52 = arith.constant 2 : i32
    %dma_start3A_53 = arith.constant 0 : i32
    %dma_start3A_54 = tpu.memref_slice %arg9[%dma_start3A_52, %dma_start3A_53] : memref<4x128xi32, #tpu.memory_space<vmem>> -> memref<1x128xi32, #tpu.memory_space<vmem>>
    %dma_start3A_55 = tpu.memref_squeeze %dma_start3A_54 : memref<1x128xi32, #tpu.memory_space<vmem>> -> memref<128xi32, #tpu.memory_space<vmem>>
    %dma_start3A_56 = arith.constant 0 : i32
    %dma_start3A_57 = arith.constant 0 : i32
    %dma_start3A_58 = tpu.memref_slice %arg3[%dma_start3A_56, %dma_start3A_57] : memref<131072x128xf32, #tpu.memory_space<hbm>> -> memref<131072x128xf32, #tpu.memory_space<hbm>>
    tpu.enqueue_indirect_dma source(%dma_start3A_58 : memref<131072x128xf32, #tpu.memory_space<hbm>>) target(%arg12 : memref<128x128xf32, #tpu.memory_space<vmem>>) offsets(%dma_start3A_55 : memref<128xi32, #tpu.memory_space<vmem>>) semaphore(%arg16 : memref<!tpu.dma_semaphore, #tpu.memory_space<semaphore_mem>>)
    %dma_wait3A_59 = arith.constant 1 : i32
    %dma_wait3A_60 = arith.constant 0 : i32
    %dma_wait3A_61 = tpu.memref_slice %arg8[%dma_wait3A_59, %dma_wait3A_60] : memref<4x128xi32, #tpu.memory_space<vmem>> -> memref<1x128xi32, #tpu.memory_space<vmem>>
    %dma_wait3A_62 = tpu.memref_squeeze %dma_wait3A_61 : memref<1x128xi32, #tpu.memory_space<vmem>> -> memref<128xi32, #tpu.memory_space<vmem>>
    %dma_wait3A_63 = arith.constant 0 : i32
    %dma_wait3A_64 = arith.constant 0 : i32
    %dma_wait3A_65 = tpu.memref_slice %arg2[%dma_wait3A_63, %dma_wait3A_64] : memref<131072x128xf32, #tpu.memory_space<hbm>> -> memref<131072x128xf32, #tpu.memory_space<hbm>>
    tpu.wait_indirect_dma semaphore(%arg15 : memref<!tpu.dma_semaphore, #tpu.memory_space<semaphore_mem>>) src(%dma_wait3A_65 : memref<131072x128xf32, #tpu.memory_space<hbm>>) dst(%arg11 : memref<128x128xf32, #tpu.memory_space<vmem>>)
    %dma_wait3A_66 = arith.constant 1 : i32
    %dma_wait3A_67 = arith.constant 0 : i32
    %dma_wait3A_68 = tpu.memref_slice %arg9[%dma_wait3A_66, %dma_wait3A_67] : memref<4x128xi32, #tpu.memory_space<vmem>> -> memref<1x128xi32, #tpu.memory_space<vmem>>
    %dma_wait3A_69 = tpu.memref_squeeze %dma_wait3A_68 : memref<1x128xi32, #tpu.memory_space<vmem>> -> memref<128xi32, #tpu.memory_space<vmem>>
    %dma_wait3A_70 = arith.constant 0 : i32
    %dma_wait3A_71 = arith.constant 0 : i32
    %dma_wait3A_72 = tpu.memref_slice %arg3[%dma_wait3A_70, %dma_wait3A_71] : memref<131072x128xf32, #tpu.memory_space<hbm>> -> memref<131072x128xf32, #tpu.memory_space<hbm>>
    tpu.wait_indirect_dma semaphore(%arg17 : memref<!tpu.dma_semaphore, #tpu.memory_space<semaphore_mem>>) src(%dma_wait3A_72 : memref<131072x128xf32, #tpu.memory_space<hbm>>) dst(%arg13 : memref<128x128xf32, #tpu.memory_space<vmem>>)
    %add3A_73 = arith.constant 128 : i32
    %add3A_74 = arith.addi %mul3A_2, %add3A_73 : i32
    "tpu.region"() ({
      %run_scoped3A = tpu.sem_alloc : memref<!tpu.dma_semaphore, #tpu.memory_space<semaphore_mem>>
      %dma_start3A_121 = arith.constant 0 : i32
      %dma_start3A_122 = tpu.memref_slice %arg6[%add3A_74, %dma_start3A_121] : memref<16384x128xf32, #tpu.memory_space<hbm>> -> memref<128x128xf32, #tpu.memory_space<hbm>>
      %dma_start3A_123 = arith.constant 0 : i32
      %dma_start3A_124 = tpu.memref_slice %arg6[%add3A_74, %dma_start3A_123] : memref<16384x128xf32, #tpu.memory_space<hbm>> -> memref<128x128xf32, #tpu.memory_space<hbm>>
      tpu.enqueue_dma source(%arg11 : memref<128x128xf32, #tpu.memory_space<vmem>>) target(%dma_start3A_124 : memref<128x128xf32, #tpu.memory_space<hbm>>) target_semaphore(%run_scoped3A : memref<!tpu.dma_semaphore, #tpu.memory_space<semaphore_mem>>)
      %dma_wait3A_125 = arith.constant 0 : i32
      %dma_wait3A_126 = tpu.memref_slice %arg6[%add3A_74, %dma_wait3A_125] : memref<16384x128xf32, #tpu.memory_space<hbm>> -> memref<128x128xf32, #tpu.memory_space<hbm>>
      %dma_wait3A_127 = arith.constant 0 : i32
      %dma_wait3A_128 = tpu.memref_slice %arg6[%add3A_74, %dma_wait3A_127] : memref<16384x128xf32, #tpu.memory_space<hbm>> -> memref<128x128xf32, #tpu.memory_space<hbm>>
      tpu.wait_dma2 semaphore(%run_scoped3A : memref<!tpu.dma_semaphore, #tpu.memory_space<semaphore_mem>>) src(%arg11 : memref<128x128xf32, #tpu.memory_space<vmem>>) dst(%dma_wait3A_128 : memref<128x128xf32, #tpu.memory_space<hbm>>)
      tpu.yield
    }) : () -> ()
    "tpu.region"() ({
      %run_scoped3A = tpu.sem_alloc : memref<!tpu.dma_semaphore, #tpu.memory_space<semaphore_mem>>
      %dma_start3A_121 = arith.constant 0 : i32
      %dma_start3A_122 = tpu.memref_slice %arg7[%add3A_74, %dma_start3A_121] : memref<16384x128xf32, #tpu.memory_space<hbm>> -> memref<128x128xf32, #tpu.memory_space<hbm>>
      %dma_start3A_123 = arith.constant 0 : i32
      %dma_start3A_124 = tpu.memref_slice %arg7[%add3A_74, %dma_start3A_123] : memref<16384x128xf32, #tpu.memory_space<hbm>> -> memref<128x128xf32, #tpu.memory_space<hbm>>
      tpu.enqueue_dma source(%arg13 : memref<128x128xf32, #tpu.memory_space<vmem>>) target(%dma_start3A_124 : memref<128x128xf32, #tpu.memory_space<hbm>>) target_semaphore(%run_scoped3A : memref<!tpu.dma_semaphore, #tpu.memory_space<semaphore_mem>>)
      %dma_wait3A_125 = arith.constant 0 : i32
      %dma_wait3A_126 = tpu.memref_slice %arg7[%add3A_74, %dma_wait3A_125] : memref<16384x128xf32, #tpu.memory_space<hbm>> -> memref<128x128xf32, #tpu.memory_space<hbm>>
      %dma_wait3A_127 = arith.constant 0 : i32
      %dma_wait3A_128 = tpu.memref_slice %arg7[%add3A_74, %dma_wait3A_127] : memref<16384x128xf32, #tpu.memory_space<hbm>> -> memref<128x128xf32, #tpu.memory_space<hbm>>
      tpu.wait_dma2 semaphore(%run_scoped3A : memref<!tpu.dma_semaphore, #tpu.memory_space<semaphore_mem>>) src(%arg13 : memref<128x128xf32, #tpu.memory_space<vmem>>) dst(%dma_wait3A_128 : memref<128x128xf32, #tpu.memory_space<hbm>>)
      tpu.yield
    }) : () -> ()
    %dma_start3A_75 = arith.constant 3 : i32
    %dma_start3A_76 = arith.constant 0 : i32
    %dma_start3A_77 = tpu.memref_slice %arg8[%dma_start3A_75, %dma_start3A_76] : memref<4x128xi32, #tpu.memory_space<vmem>> -> memref<1x128xi32, #tpu.memory_space<vmem>>
    %dma_start3A_78 = tpu.memref_squeeze %dma_start3A_77 : memref<1x128xi32, #tpu.memory_space<vmem>> -> memref<128xi32, #tpu.memory_space<vmem>>
    %dma_start3A_79 = arith.constant 0 : i32
    %dma_start3A_80 = arith.constant 0 : i32
    %dma_start3A_81 = tpu.memref_slice %arg2[%dma_start3A_79, %dma_start3A_80] : memref<131072x128xf32, #tpu.memory_space<hbm>> -> memref<131072x128xf32, #tpu.memory_space<hbm>>
    tpu.enqueue_indirect_dma source(%dma_start3A_81 : memref<131072x128xf32, #tpu.memory_space<hbm>>) target(%arg11 : memref<128x128xf32, #tpu.memory_space<vmem>>) offsets(%dma_start3A_78 : memref<128xi32, #tpu.memory_space<vmem>>) semaphore(%arg15 : memref<!tpu.dma_semaphore, #tpu.memory_space<semaphore_mem>>)
    %dma_start3A_82 = arith.constant 3 : i32
    %dma_start3A_83 = arith.constant 0 : i32
    %dma_start3A_84 = tpu.memref_slice %arg9[%dma_start3A_82, %dma_start3A_83] : memref<4x128xi32, #tpu.memory_space<vmem>> -> memref<1x128xi32, #tpu.memory_space<vmem>>
    %dma_start3A_85 = tpu.memref_squeeze %dma_start3A_84 : memref<1x128xi32, #tpu.memory_space<vmem>> -> memref<128xi32, #tpu.memory_space<vmem>>
    %dma_start3A_86 = arith.constant 0 : i32
    %dma_start3A_87 = arith.constant 0 : i32
    %dma_start3A_88 = tpu.memref_slice %arg3[%dma_start3A_86, %dma_start3A_87] : memref<131072x128xf32, #tpu.memory_space<hbm>> -> memref<131072x128xf32, #tpu.memory_space<hbm>>
    tpu.enqueue_indirect_dma source(%dma_start3A_88 : memref<131072x128xf32, #tpu.memory_space<hbm>>) target(%arg13 : memref<128x128xf32, #tpu.memory_space<vmem>>) offsets(%dma_start3A_85 : memref<128xi32, #tpu.memory_space<vmem>>) semaphore(%arg17 : memref<!tpu.dma_semaphore, #tpu.memory_space<semaphore_mem>>)
    %dma_wait3A_89 = arith.constant 2 : i32
    %dma_wait3A_90 = arith.constant 0 : i32
    %dma_wait3A_91 = tpu.memref_slice %arg8[%dma_wait3A_89, %dma_wait3A_90] : memref<4x128xi32, #tpu.memory_space<vmem>> -> memref<1x128xi32, #tpu.memory_space<vmem>>
    %dma_wait3A_92 = tpu.memref_squeeze %dma_wait3A_91 : memref<1x128xi32, #tpu.memory_space<vmem>> -> memref<128xi32, #tpu.memory_space<vmem>>
    %dma_wait3A_93 = arith.constant 0 : i32
    %dma_wait3A_94 = arith.constant 0 : i32
    %dma_wait3A_95 = tpu.memref_slice %arg2[%dma_wait3A_93, %dma_wait3A_94] : memref<131072x128xf32, #tpu.memory_space<hbm>> -> memref<131072x128xf32, #tpu.memory_space<hbm>>
    tpu.wait_indirect_dma semaphore(%arg14 : memref<!tpu.dma_semaphore, #tpu.memory_space<semaphore_mem>>) src(%dma_wait3A_95 : memref<131072x128xf32, #tpu.memory_space<hbm>>) dst(%arg10 : memref<128x128xf32, #tpu.memory_space<vmem>>)
    %dma_wait3A_96 = arith.constant 2 : i32
    %dma_wait3A_97 = arith.constant 0 : i32
    %dma_wait3A_98 = tpu.memref_slice %arg9[%dma_wait3A_96, %dma_wait3A_97] : memref<4x128xi32, #tpu.memory_space<vmem>> -> memref<1x128xi32, #tpu.memory_space<vmem>>
    %dma_wait3A_99 = tpu.memref_squeeze %dma_wait3A_98 : memref<1x128xi32, #tpu.memory_space<vmem>> -> memref<128xi32, #tpu.memory_space<vmem>>
    %dma_wait3A_100 = arith.constant 0 : i32
    %dma_wait3A_101 = arith.constant 0 : i32
    %dma_wait3A_102 = tpu.memref_slice %arg3[%dma_wait3A_100, %dma_wait3A_101] : memref<131072x128xf32, #tpu.memory_space<hbm>> -> memref<131072x128xf32, #tpu.memory_space<hbm>>
    tpu.wait_indirect_dma semaphore(%arg16 : memref<!tpu.dma_semaphore, #tpu.memory_space<semaphore_mem>>) src(%dma_wait3A_102 : memref<131072x128xf32, #tpu.memory_space<hbm>>) dst(%arg12 : memref<128x128xf32, #tpu.memory_space<vmem>>)
    %add3A_103 = arith.constant 256 : i32
    %add3A_104 = arith.addi %mul3A_2, %add3A_103 : i32
    "tpu.region"() ({
      %run_scoped3A = tpu.sem_alloc : memref<!tpu.dma_semaphore, #tpu.memory_space<semaphore_mem>>
      %dma_start3A_121 = arith.constant 0 : i32
      %dma_start3A_122 = tpu.memref_slice %arg6[%add3A_104, %dma_start3A_121] : memref<16384x128xf32, #tpu.memory_space<hbm>> -> memref<128x128xf32, #tpu.memory_space<hbm>>
      %dma_start3A_123 = arith.constant 0 : i32
      %dma_start3A_124 = tpu.memref_slice %arg6[%add3A_104, %dma_start3A_123] : memref<16384x128xf32, #tpu.memory_space<hbm>> -> memref<128x128xf32, #tpu.memory_space<hbm>>
      tpu.enqueue_dma source(%arg10 : memref<128x128xf32, #tpu.memory_space<vmem>>) target(%dma_start3A_124 : memref<128x128xf32, #tpu.memory_space<hbm>>) target_semaphore(%run_scoped3A : memref<!tpu.dma_semaphore, #tpu.memory_space<semaphore_mem>>)
      %dma_wait3A_125 = arith.constant 0 : i32
      %dma_wait3A_126 = tpu.memref_slice %arg6[%add3A_104, %dma_wait3A_125] : memref<16384x128xf32, #tpu.memory_space<hbm>> -> memref<128x128xf32, #tpu.memory_space<hbm>>
      %dma_wait3A_127 = arith.constant 0 : i32
      %dma_wait3A_128 = tpu.memref_slice %arg6[%add3A_104, %dma_wait3A_127] : memref<16384x128xf32, #tpu.memory_space<hbm>> -> memref<128x128xf32, #tpu.memory_space<hbm>>
      tpu.wait_dma2 semaphore(%run_scoped3A : memref<!tpu.dma_semaphore, #tpu.memory_space<semaphore_mem>>) src(%arg10 : memref<128x128xf32, #tpu.memory_space<vmem>>) dst(%dma_wait3A_128 : memref<128x128xf32, #tpu.memory_space<hbm>>)
      tpu.yield
    }) : () -> ()
    "tpu.region"() ({
      %run_scoped3A = tpu.sem_alloc : memref<!tpu.dma_semaphore, #tpu.memory_space<semaphore_mem>>
      %dma_start3A_121 = arith.constant 0 : i32
      %dma_start3A_122 = tpu.memref_slice %arg7[%add3A_104, %dma_start3A_121] : memref<16384x128xf32, #tpu.memory_space<hbm>> -> memref<128x128xf32, #tpu.memory_space<hbm>>
      %dma_start3A_123 = arith.constant 0 : i32
      %dma_start3A_124 = tpu.memref_slice %arg7[%add3A_104, %dma_start3A_123] : memref<16384x128xf32, #tpu.memory_space<hbm>> -> memref<128x128xf32, #tpu.memory_space<hbm>>
      tpu.enqueue_dma source(%arg12 : memref<128x128xf32, #tpu.memory_space<vmem>>) target(%dma_start3A_124 : memref<128x128xf32, #tpu.memory_space<hbm>>) target_semaphore(%run_scoped3A : memref<!tpu.dma_semaphore, #tpu.memory_space<semaphore_mem>>)
      %dma_wait3A_125 = arith.constant 0 : i32
      %dma_wait3A_126 = tpu.memref_slice %arg7[%add3A_104, %dma_wait3A_125] : memref<16384x128xf32, #tpu.memory_space<hbm>> -> memref<128x128xf32, #tpu.memory_space<hbm>>
      %dma_wait3A_127 = arith.constant 0 : i32
      %dma_wait3A_128 = tpu.memref_slice %arg7[%add3A_104, %dma_wait3A_127] : memref<16384x128xf32, #tpu.memory_space<hbm>> -> memref<128x128xf32, #tpu.memory_space<hbm>>
      tpu.wait_dma2 semaphore(%run_scoped3A : memref<!tpu.dma_semaphore, #tpu.memory_space<semaphore_mem>>) src(%arg12 : memref<128x128xf32, #tpu.memory_space<vmem>>) dst(%dma_wait3A_128 : memref<128x128xf32, #tpu.memory_space<hbm>>)
      tpu.yield
    }) : () -> ()
    %dma_wait3A_105 = arith.constant 3 : i32
    %dma_wait3A_106 = arith.constant 0 : i32
    %dma_wait3A_107 = tpu.memref_slice %arg8[%dma_wait3A_105, %dma_wait3A_106] : memref<4x128xi32, #tpu.memory_space<vmem>> -> memref<1x128xi32, #tpu.memory_space<vmem>>
    %dma_wait3A_108 = tpu.memref_squeeze %dma_wait3A_107 : memref<1x128xi32, #tpu.memory_space<vmem>> -> memref<128xi32, #tpu.memory_space<vmem>>
    %dma_wait3A_109 = arith.constant 0 : i32
    %dma_wait3A_110 = arith.constant 0 : i32
    %dma_wait3A_111 = tpu.memref_slice %arg2[%dma_wait3A_109, %dma_wait3A_110] : memref<131072x128xf32, #tpu.memory_space<hbm>> -> memref<131072x128xf32, #tpu.memory_space<hbm>>
    tpu.wait_indirect_dma semaphore(%arg15 : memref<!tpu.dma_semaphore, #tpu.memory_space<semaphore_mem>>) src(%dma_wait3A_111 : memref<131072x128xf32, #tpu.memory_space<hbm>>) dst(%arg11 : memref<128x128xf32, #tpu.memory_space<vmem>>)
    %dma_wait3A_112 = arith.constant 3 : i32
    %dma_wait3A_113 = arith.constant 0 : i32
    %dma_wait3A_114 = tpu.memref_slice %arg9[%dma_wait3A_112, %dma_wait3A_113] : memref<4x128xi32, #tpu.memory_space<vmem>> -> memref<1x128xi32, #tpu.memory_space<vmem>>
    %dma_wait3A_115 = tpu.memref_squeeze %dma_wait3A_114 : memref<1x128xi32, #tpu.memory_space<vmem>> -> memref<128xi32, #tpu.memory_space<vmem>>
    %dma_wait3A_116 = arith.constant 0 : i32
    %dma_wait3A_117 = arith.constant 0 : i32
    %dma_wait3A_118 = tpu.memref_slice %arg3[%dma_wait3A_116, %dma_wait3A_117] : memref<131072x128xf32, #tpu.memory_space<hbm>> -> memref<131072x128xf32, #tpu.memory_space<hbm>>
    tpu.wait_indirect_dma semaphore(%arg17 : memref<!tpu.dma_semaphore, #tpu.memory_space<semaphore_mem>>) src(%dma_wait3A_118 : memref<131072x128xf32, #tpu.memory_space<hbm>>) dst(%arg13 : memref<128x128xf32, #tpu.memory_space<vmem>>)
    %add3A_119 = arith.constant 384 : i32
    %add3A_120 = arith.addi %mul3A_2, %add3A_119 : i32
    "tpu.region"() ({
      %run_scoped3A = tpu.sem_alloc : memref<!tpu.dma_semaphore, #tpu.memory_space<semaphore_mem>>
      %dma_start3A_121 = arith.constant 0 : i32
      %dma_start3A_122 = tpu.memref_slice %arg6[%add3A_120, %dma_start3A_121] : memref<16384x128xf32, #tpu.memory_space<hbm>> -> memref<128x128xf32, #tpu.memory_space<hbm>>
      %dma_start3A_123 = arith.constant 0 : i32
      %dma_start3A_124 = tpu.memref_slice %arg6[%add3A_120, %dma_start3A_123] : memref<16384x128xf32, #tpu.memory_space<hbm>> -> memref<128x128xf32, #tpu.memory_space<hbm>>
      tpu.enqueue_dma source(%arg11 : memref<128x128xf32, #tpu.memory_space<vmem>>) target(%dma_start3A_124 : memref<128x128xf32, #tpu.memory_space<hbm>>) target_semaphore(%run_scoped3A : memref<!tpu.dma_semaphore, #tpu.memory_space<semaphore_mem>>)
      %dma_wait3A_125 = arith.constant 0 : i32
      %dma_wait3A_126 = tpu.memref_slice %arg6[%add3A_120, %dma_wait3A_125] : memref<16384x128xf32, #tpu.memory_space<hbm>> -> memref<128x128xf32, #tpu.memory_space<hbm>>
      %dma_wait3A_127 = arith.constant 0 : i32
      %dma_wait3A_128 = tpu.memref_slice %arg6[%add3A_120, %dma_wait3A_127] : memref<16384x128xf32, #tpu.memory_space<hbm>> -> memref<128x128xf32, #tpu.memory_space<hbm>>
      tpu.wait_dma2 semaphore(%run_scoped3A : memref<!tpu.dma_semaphore, #tpu.memory_space<semaphore_mem>>) src(%arg11 : memref<128x128xf32, #tpu.memory_space<vmem>>) dst(%dma_wait3A_128 : memref<128x128xf32, #tpu.memory_space<hbm>>)
      tpu.yield
    }) : () -> ()
    "tpu.region"() ({
      %run_scoped3A = tpu.sem_alloc : memref<!tpu.dma_semaphore, #tpu.memory_space<semaphore_mem>>
      %dma_start3A_121 = arith.constant 0 : i32
      %dma_start3A_122 = tpu.memref_slice %arg7[%add3A_120, %dma_start3A_121] : memref<16384x128xf32, #tpu.memory_space<hbm>> -> memref<128x128xf32, #tpu.memory_space<hbm>>
      %dma_start3A_123 = arith.constant 0 : i32
      %dma_start3A_124 = tpu.memref_slice %arg7[%add3A_120, %dma_start3A_123] : memref<16384x128xf32, #tpu.memory_space<hbm>> -> memref<128x128xf32, #tpu.memory_space<hbm>>
      tpu.enqueue_dma source(%arg13 : memref<128x128xf32, #tpu.memory_space<vmem>>) target(%dma_start3A_124 : memref<128x128xf32, #tpu.memory_space<hbm>>) target_semaphore(%run_scoped3A : memref<!tpu.dma_semaphore, #tpu.memory_space<semaphore_mem>>)
      %dma_wait3A_125 = arith.constant 0 : i32
      %dma_wait3A_126 = tpu.memref_slice %arg7[%add3A_120, %dma_wait3A_125] : memref<16384x128xf32, #tpu.memory_space<hbm>> -> memref<128x128xf32, #tpu.memory_space<hbm>>
      %dma_wait3A_127 = arith.constant 0 : i32
      %dma_wait3A_128 = tpu.memref_slice %arg7[%add3A_120, %dma_wait3A_127] : memref<16384x128xf32, #tpu.memory_space<hbm>> -> memref<128x128xf32, #tpu.memory_space<hbm>>
      tpu.wait_dma2 semaphore(%run_scoped3A : memref<!tpu.dma_semaphore, #tpu.memory_space<semaphore_mem>>) src(%arg13 : memref<128x128xf32, #tpu.memory_space<vmem>>) dst(%dma_wait3A_128 : memref<128x128xf32, #tpu.memory_space<hbm>>)
      tpu.yield
    }) : () -> ()
    return
  }
}

module attributes {stable_mosaic.version = 14 : i64} {
  func.func @_scan_body(%arg0: i32, %arg1: memref<32x8192xf32, #tpu.memory_space<vmem>>, %arg2: memref<32x8192xf32, #tpu.memory_space<vmem>>, %arg3: memref<32x8192xf32, #tpu.memory_space<vmem>>, %arg4: memref<32x8192xf32, #tpu.memory_space<vmem>>, %arg5: memref<32x8192xf32, #tpu.memory_space<vmem>>, %arg6: memref<32x8192xf32, #tpu.memory_space<vmem>>, %arg7: memref<32x8192xf32, #tpu.memory_space<vmem>>, %arg8: memref<32x8192xf32, #tpu.memory_space<vmem>>, %arg9: memref<32x8192xf32, #tpu.memory_space<vmem>>, %arg10: memref<32x8192xf32, #tpu.memory_space<vmem>>, %arg11: memref<32x8192xf32, #tpu.memory_space<vmem>>, %arg12: memref<32x8192xf32, #tpu.memory_space<vmem>>, %arg13: memref<32x8192xf32, #tpu.memory_space<vmem>>, %arg14: memref<32x8192xf32, #tpu.memory_space<vmem>>, %arg15: memref<32x8192xf32, #tpu.memory_space<vmem>>, %arg16: memref<32x8192xf32, #tpu.memory_space<vmem>>, %arg17: memref<256x128xf32, #tpu.memory_space<vmem>>, %arg18: memref<1x128xf32, #tpu.memory_space<vmem>>, %arg19: memref<256x128xf32, #tpu.memory_space<vmem>>, %arg20: memref<1x128xf32, #tpu.memory_space<vmem>>, %arg21: memref<8192x128xf32, #tpu.memory_space<vmem>>, %arg22: memref<8192x128xf32, #tpu.memory_space<vmem>>) attributes {dimension_semantics = [#tpu.dimension_semantics<parallel>], iteration_bounds = array<i64: 16>, scalar_prefetch = 0 : i64, scratch_operands = 0 : i64, tpu.core_type = #tpu.core_type<tc>, window_params = [{transform_indices = @transform_0, window_bounds = array<i64: 32, 8192>}, {transform_indices = @transform_1, window_bounds = array<i64: 32, 8192>}, {transform_indices = @transform_2, window_bounds = array<i64: 32, 8192>}, {transform_indices = @transform_3, window_bounds = array<i64: 32, 8192>}, {transform_indices = @transform_4, window_bounds = array<i64: 32, 8192>}, {transform_indices = @transform_5, window_bounds = array<i64: 32, 8192>}, {transform_indices = @transform_6, window_bounds = array<i64: 32, 8192>}, {transform_indices = @transform_7, window_bounds = array<i64: 32, 8192>}, {transform_indices = @transform_8, window_bounds = array<i64: 32, 8192>}, {transform_indices = @transform_9, window_bounds = array<i64: 32, 8192>}, {transform_indices = @transform_10, window_bounds = array<i64: 32, 8192>}, {transform_indices = @transform_11, window_bounds = array<i64: 32, 8192>}, {transform_indices = @transform_12, window_bounds = array<i64: 32, 8192>}, {transform_indices = @transform_13, window_bounds = array<i64: 32, 8192>}, {transform_indices = @transform_14, window_bounds = array<i64: 32, 8192>}, {transform_indices = @transform_15, window_bounds = array<i64: 32, 8192>}, {pipeline_mode = #tpu.pipeline_mode<synchronous>, transform_indices = @transform_16, window_bounds = array<i64: 256, 128>}, {pipeline_mode = #tpu.pipeline_mode<synchronous>, transform_indices = @transform_17, window_bounds = array<i64: 1, 128>}, {pipeline_mode = #tpu.pipeline_mode<synchronous>, transform_indices = @transform_18, window_bounds = array<i64: 256, 128>}, {pipeline_mode = #tpu.pipeline_mode<synchronous>, transform_indices = @transform_19, window_bounds = array<i64: 1, 128>}, {transform_indices = @transform_20, window_bounds = array<i64: 8192, 128>}, {transform_indices = @transform_21, window_bounds = array<i64: 8192, 128>}]} {
    %add3A = arith.constant 112 : i32
    %add3A_0 = arith.addi %add3A, %arg0 : i32
    %min3A = arith.constant 122 : i32
    %min3A_1 = arith.minsi %add3A_0, %min3A : i32
    %iota3A = tpu.iota {dimensions = array<i32: 1>} : vector<1x8192xi32>
    %mul3A = arith.constant 8192 : i32
    %mul3A_2 = arith.muli %min3A_1, %mul3A : i32
    %add3A_3 = vector.broadcast %mul3A_2 : i32 to vector<1x8192xi32>
    %add3A_4 = arith.addi %add3A_3, %iota3A : vector<1x8192xi32>
    %lt3A = arith.constant 1000000 : i32
    %lt3A_5 = vector.broadcast %lt3A : i32 to vector<1x8192xi32>
    %lt3A_6 = arith.cmpi slt, %add3A_4, %lt3A_5 : vector<1x8192xi32>
    %get3A = arith.constant 0 : index
    %get3A_7 = arith.constant 0 : index
    %get3A_8 = vector.load %arg1[%get3A, %get3A_7] : memref<32x8192xf32, #tpu.memory_space<vmem>>, vector<32x8192xf32>
    %get3A_9 = arith.constant 0 : index
    %get3A_10 = arith.constant 0 : index
    %get3A_11 = vector.load %arg2[%get3A_9, %get3A_10] : memref<32x8192xf32, #tpu.memory_space<vmem>>, vector<32x8192xf32>
    %get3A_12 = arith.constant 0 : index
    %get3A_13 = arith.constant 0 : index
    %get3A_14 = vector.load %arg3[%get3A_12, %get3A_13] : memref<32x8192xf32, #tpu.memory_space<vmem>>, vector<32x8192xf32>
    %get3A_15 = arith.constant 0 : index
    %get3A_16 = arith.constant 0 : index
    %get3A_17 = vector.load %arg4[%get3A_15, %get3A_16] : memref<32x8192xf32, #tpu.memory_space<vmem>>, vector<32x8192xf32>
    %get3A_18 = arith.constant 0 : index
    %get3A_19 = arith.constant 0 : index
    %get3A_20 = vector.load %arg5[%get3A_18, %get3A_19] : memref<32x8192xf32, #tpu.memory_space<vmem>>, vector<32x8192xf32>
    %get3A_21 = arith.constant 0 : index
    %get3A_22 = arith.constant 0 : index
    %get3A_23 = vector.load %arg6[%get3A_21, %get3A_22] : memref<32x8192xf32, #tpu.memory_space<vmem>>, vector<32x8192xf32>
    %get3A_24 = arith.constant 0 : index
    %get3A_25 = arith.constant 0 : index
    %get3A_26 = vector.load %arg7[%get3A_24, %get3A_25] : memref<32x8192xf32, #tpu.memory_space<vmem>>, vector<32x8192xf32>
    %get3A_27 = arith.constant 0 : index
    %get3A_28 = arith.constant 0 : index
    %get3A_29 = vector.load %arg8[%get3A_27, %get3A_28] : memref<32x8192xf32, #tpu.memory_space<vmem>>, vector<32x8192xf32>
    %jit3A = arith.constant 0.000000e+00 : f32
    %broadcast_in_dim3A = vector.shape_cast %lt3A_6 : vector<1x8192xi1> to vector<1x8192xi1>
    %broadcast_in_dim3A_30 = vector.broadcast %broadcast_in_dim3A : vector<1x8192xi1> to vector<32x8192xi1>
    %broadcast_in_dim3A_31 = vector.broadcast %jit3A : f32 to vector<32x8192xf32>
    %select_n3A = arith.select %broadcast_in_dim3A_30, %get3A_29, %broadcast_in_dim3A_31 : vector<32x8192xi1>, vector<32x8192xf32>
    %concatenate3A = tpu.concatenate %get3A_8, %get3A_11, %get3A_14, %get3A_17, %get3A_20, %get3A_23, %get3A_26, %select_n3A in 0 : vector<32x8192xf32>, vector<32x8192xf32>, vector<32x8192xf32>, vector<32x8192xf32>, vector<32x8192xf32>, vector<32x8192xf32>, vector<32x8192xf32>, vector<32x8192xf32> -> vector<256x8192xf32>
    %get3A_32 = arith.constant 0 : index
    %get3A_33 = arith.constant 0 : index
    %get3A_34 = vector.load %arg9[%get3A_32, %get3A_33] : memref<32x8192xf32, #tpu.memory_space<vmem>>, vector<32x8192xf32>
    %get3A_35 = arith.constant 0 : index
    %get3A_36 = arith.constant 0 : index
    %get3A_37 = vector.load %arg10[%get3A_35, %get3A_36] : memref<32x8192xf32, #tpu.memory_space<vmem>>, vector<32x8192xf32>
    %get3A_38 = arith.constant 0 : index
    %get3A_39 = arith.constant 0 : index
    %get3A_40 = vector.load %arg11[%get3A_38, %get3A_39] : memref<32x8192xf32, #tpu.memory_space<vmem>>, vector<32x8192xf32>
    %get3A_41 = arith.constant 0 : index
    %get3A_42 = arith.constant 0 : index
    %get3A_43 = vector.load %arg12[%get3A_41, %get3A_42] : memref<32x8192xf32, #tpu.memory_space<vmem>>, vector<32x8192xf32>
    %get3A_44 = arith.constant 0 : index
    %get3A_45 = arith.constant 0 : index
    %get3A_46 = vector.load %arg13[%get3A_44, %get3A_45] : memref<32x8192xf32, #tpu.memory_space<vmem>>, vector<32x8192xf32>
    %get3A_47 = arith.constant 0 : index
    %get3A_48 = arith.constant 0 : index
    %get3A_49 = vector.load %arg14[%get3A_47, %get3A_48] : memref<32x8192xf32, #tpu.memory_space<vmem>>, vector<32x8192xf32>
    %get3A_50 = arith.constant 0 : index
    %get3A_51 = arith.constant 0 : index
    %get3A_52 = vector.load %arg15[%get3A_50, %get3A_51] : memref<32x8192xf32, #tpu.memory_space<vmem>>, vector<32x8192xf32>
    %get3A_53 = arith.constant 0 : index
    %get3A_54 = arith.constant 0 : index
    %get3A_55 = vector.load %arg16[%get3A_53, %get3A_54] : memref<32x8192xf32, #tpu.memory_space<vmem>>, vector<32x8192xf32>
    %jit3A_56 = arith.constant 0.000000e+00 : f32
    %broadcast_in_dim3A_57 = vector.shape_cast %lt3A_6 : vector<1x8192xi1> to vector<1x8192xi1>
    %broadcast_in_dim3A_58 = vector.broadcast %broadcast_in_dim3A_57 : vector<1x8192xi1> to vector<32x8192xi1>
    %broadcast_in_dim3A_59 = vector.broadcast %jit3A_56 : f32 to vector<32x8192xf32>
    %select_n3A_60 = arith.select %broadcast_in_dim3A_58, %get3A_55, %broadcast_in_dim3A_59 : vector<32x8192xi1>, vector<32x8192xf32>
    %concatenate3A_61 = tpu.concatenate %get3A_34, %get3A_37, %get3A_40, %get3A_43, %get3A_46, %get3A_49, %get3A_52, %select_n3A_60 in 0 : vector<32x8192xf32>, vector<32x8192xf32>, vector<32x8192xf32>, vector<32x8192xf32>, vector<32x8192xf32>, vector<32x8192xf32>, vector<32x8192xf32>, vector<32x8192xf32> -> vector<256x8192xf32>
    %convert_element_type3A = arith.truncf %concatenate3A : vector<256x8192xf32> to vector<256x8192xbf16>
    %get3A_62 = arith.constant 0 : index
    %get3A_63 = arith.constant 0 : index
    %get3A_64 = vector.load %arg17[%get3A_62, %get3A_63] : memref<256x128xf32, #tpu.memory_space<vmem>>, vector<256x128xf32>
    %convert_element_type3A_65 = arith.truncf %get3A_64 : vector<256x128xf32> to vector<256x128xbf16>
    %dot_general3A = arith.constant dense<0.000000e+00> : vector<8192x128xf32>
    %dot_general3A_66 = tpu.matmul %convert_element_type3A, %convert_element_type3A_65, %dot_general3A {dimension_numbers = #tpu.dot_dimension_numbers<[0], [0], [1], [1], [0, 1, 1, 1], [], []>, transpose_lhs_hint = false} : vector<256x8192xbf16>, vector<256x128xbf16>, vector<8192x128xf32> -> vector<8192x128xf32>
    %convert_element_type3A_67 = arith.truncf %concatenate3A_61 : vector<256x8192xf32> to vector<256x8192xbf16>
    %get3A_68 = arith.constant 0 : index
    %get3A_69 = arith.constant 0 : index
    %get3A_70 = vector.load %arg19[%get3A_68, %get3A_69] : memref<256x128xf32, #tpu.memory_space<vmem>>, vector<256x128xf32>
    %convert_element_type3A_71 = arith.truncf %get3A_70 : vector<256x128xf32> to vector<256x128xbf16>
    %dot_general3A_72 = arith.constant dense<0.000000e+00> : vector<8192x128xf32>
    %dot_general3A_73 = tpu.matmul %convert_element_type3A_67, %convert_element_type3A_71, %dot_general3A_72 {dimension_numbers = #tpu.dot_dimension_numbers<[0], [0], [1], [1], [0, 1, 1, 1], [], []>, transpose_lhs_hint = false} : vector<256x8192xbf16>, vector<256x128xbf16>, vector<8192x128xf32> -> vector<8192x128xf32>
    %get3A_74 = arith.constant 0 : index
    %get3A_75 = arith.constant 0 : index
    %get3A_76 = vector.load %arg18[%get3A_74, %get3A_75] : memref<1x128xf32, #tpu.memory_space<vmem>>, vector<1x128xf32>
    %add3A_77 = vector.broadcast %get3A_76 : vector<1x128xf32> to vector<8192x128xf32>
    %add3A_78 = arith.addf %dot_general3A_66, %add3A_77 : vector<8192x128xf32>
    %max3A = arith.constant 0.000000e+00 : f32
    %max3A_79 = vector.broadcast %max3A : f32 to vector<8192x128xf32>
    %max3A_80 = arith.maximumf %add3A_78, %max3A_79 : vector<8192x128xf32>
    %swap3A = arith.constant 0 : index
    %swap3A_81 = arith.constant 0 : index
    %swap3A_82 = vector.load %arg21[%swap3A, %swap3A_81] : memref<8192x128xf32, #tpu.memory_space<vmem>>, vector<8192x128xf32>
    tpu.vector_store %arg21[%swap3A, %swap3A_81], %max3A_80 {strides = array<i32>} : memref<8192x128xf32, #tpu.memory_space<vmem>>, vector<8192x128xf32>,
    %get3A_83 = arith.constant 0 : index
    %get3A_84 = arith.constant 0 : index
    %get3A_85 = vector.load %arg20[%get3A_83, %get3A_84] : memref<1x128xf32, #tpu.memory_space<vmem>>, vector<1x128xf32>
    %add3A_86 = vector.broadcast %get3A_85 : vector<1x128xf32> to vector<8192x128xf32>
    %add3A_87 = arith.addf %dot_general3A_73, %add3A_86 : vector<8192x128xf32>
    %max3A_88 = arith.constant 0.000000e+00 : f32
    %max3A_89 = vector.broadcast %max3A_88 : f32 to vector<8192x128xf32>
    %max3A_90 = arith.maximumf %add3A_87, %max3A_89 : vector<8192x128xf32>
    %swap3A_91 = arith.constant 0 : index
    %swap3A_92 = arith.constant 0 : index
    %swap3A_93 = vector.load %arg22[%swap3A_91, %swap3A_92] : memref<8192x128xf32, #tpu.memory_space<vmem>>, vector<8192x128xf32>
    tpu.vector_store %arg22[%swap3A_91, %swap3A_92], %max3A_90 {strides = array<i32>} : memref<8192x128xf32, #tpu.memory_space<vmem>>, vector<8192x128xf32>,
    return
  }
  func.func @transform_0(%arg0: i32) -> (i32, i32) {
    %add3A = arith.constant 0 : i32
    %add3A_0 = arith.addi %add3A, %arg0 : i32
    %min3A = arith.constant 122 : i32
    %min3A_1 = arith.minsi %add3A_0, %min3A : i32
    %c0_i32 = arith.constant 0 : i32
    %c0_i32_2 = arith.constant 0 : i32
    return %c0_i32, %min3A_1 : i32, i32
  }
  func.func @transform_1(%arg0: i32) -> (i32, i32) {
    %add3A = arith.constant 16 : i32
    %add3A_0 = arith.addi %add3A, %arg0 : i32
    %min3A = arith.constant 122 : i32
    %min3A_1 = arith.minsi %add3A_0, %min3A : i32
    %c0_i32 = arith.constant 0 : i32
    %c0_i32_2 = arith.constant 0 : i32
    return %c0_i32, %min3A_1 : i32, i32
  }
  func.func @transform_2(%arg0: i32) -> (i32, i32) {
    %add3A = arith.constant 32 : i32
    %add3A_0 = arith.addi %add3A, %arg0 : i32
    %min3A = arith.constant 122 : i32
    %min3A_1 = arith.minsi %add3A_0, %min3A : i32
    %c0_i32 = arith.constant 0 : i32
    %c0_i32_2 = arith.constant 0 : i32
    return %c0_i32, %min3A_1 : i32, i32
  }
  func.func @transform_3(%arg0: i32) -> (i32, i32) {
    %add3A = arith.constant 48 : i32
    %add3A_0 = arith.addi %add3A, %arg0 : i32
    %min3A = arith.constant 122 : i32
    %min3A_1 = arith.minsi %add3A_0, %min3A : i32
    %c0_i32 = arith.constant 0 : i32
    %c0_i32_2 = arith.constant 0 : i32
    return %c0_i32, %min3A_1 : i32, i32
  }
  func.func @transform_4(%arg0: i32) -> (i32, i32) {
    %add3A = arith.constant 64 : i32
    %add3A_0 = arith.addi %add3A, %arg0 : i32
    %min3A = arith.constant 122 : i32
    %min3A_1 = arith.minsi %add3A_0, %min3A : i32
    %c0_i32 = arith.constant 0 : i32
    %c0_i32_2 = arith.constant 0 : i32
    return %c0_i32, %min3A_1 : i32, i32
  }
  func.func @transform_5(%arg0: i32) -> (i32, i32) {
    %add3A = arith.constant 80 : i32
    %add3A_0 = arith.addi %add3A, %arg0 : i32
    %min3A = arith.constant 122 : i32
    %min3A_1 = arith.minsi %add3A_0, %min3A : i32
    %c0_i32 = arith.constant 0 : i32
    %c0_i32_2 = arith.constant 0 : i32
    return %c0_i32, %min3A_1 : i32, i32
  }
  func.func @transform_6(%arg0: i32) -> (i32, i32) {
    %add3A = arith.constant 96 : i32
    %add3A_0 = arith.addi %add3A, %arg0 : i32
    %min3A = arith.constant 122 : i32
    %min3A_1 = arith.minsi %add3A_0, %min3A : i32
    %c0_i32 = arith.constant 0 : i32
    %c0_i32_2 = arith.constant 0 : i32
    return %c0_i32, %min3A_1 : i32, i32
  }
  func.func @transform_7(%arg0: i32) -> (i32, i32) {
    %add3A = arith.constant 112 : i32
    %add3A_0 = arith.addi %add3A, %arg0 : i32
    %min3A = arith.constant 122 : i32
    %min3A_1 = arith.minsi %add3A_0, %min3A : i32
    %c0_i32 = arith.constant 0 : i32
    %c0_i32_2 = arith.constant 0 : i32
    return %c0_i32, %min3A_1 : i32, i32
  }
  func.func @transform_8(%arg0: i32) -> (i32, i32) {
    %add3A = arith.constant 0 : i32
    %add3A_0 = arith.addi %add3A, %arg0 : i32
    %min3A = arith.constant 122 : i32
    %min3A_1 = arith.minsi %add3A_0, %min3A : i32
    %c0_i32 = arith.constant 0 : i32
    %c0_i32_2 = arith.constant 0 : i32
    return %c0_i32, %min3A_1 : i32, i32
  }
  func.func @transform_9(%arg0: i32) -> (i32, i32) {
    %add3A = arith.constant 16 : i32
    %add3A_0 = arith.addi %add3A, %arg0 : i32
    %min3A = arith.constant 122 : i32
    %min3A_1 = arith.minsi %add3A_0, %min3A : i32
    %c0_i32 = arith.constant 0 : i32
    %c0_i32_2 = arith.constant 0 : i32
    return %c0_i32, %min3A_1 : i32, i32
  }
  func.func @transform_10(%arg0: i32) -> (i32, i32) {
    %add3A = arith.constant 32 : i32
    %add3A_0 = arith.addi %add3A, %arg0 : i32
    %min3A = arith.constant 122 : i32
    %min3A_1 = arith.minsi %add3A_0, %min3A : i32
    %c0_i32 = arith.constant 0 : i32
    %c0_i32_2 = arith.constant 0 : i32
    return %c0_i32, %min3A_1 : i32, i32
  }
  func.func @transform_11(%arg0: i32) -> (i32, i32) {
    %add3A = arith.constant 48 : i32
    %add3A_0 = arith.addi %add3A, %arg0 : i32
    %min3A = arith.constant 122 : i32
    %min3A_1 = arith.minsi %add3A_0, %min3A : i32
    %c0_i32 = arith.constant 0 : i32
    %c0_i32_2 = arith.constant 0 : i32
    return %c0_i32, %min3A_1 : i32, i32
  }
  func.func @transform_12(%arg0: i32) -> (i32, i32) {
    %add3A = arith.constant 64 : i32
    %add3A_0 = arith.addi %add3A, %arg0 : i32
    %min3A = arith.constant 122 : i32
    %min3A_1 = arith.minsi %add3A_0, %min3A : i32
    %c0_i32 = arith.constant 0 : i32
    %c0_i32_2 = arith.constant 0 : i32
    return %c0_i32, %min3A_1 : i32, i32
  }
  func.func @transform_13(%arg0: i32) -> (i32, i32) {
    %add3A = arith.constant 80 : i32
    %add3A_0 = arith.addi %add3A, %arg0 : i32
    %min3A = arith.constant 122 : i32
    %min3A_1 = arith.minsi %add3A_0, %min3A : i32
    %c0_i32 = arith.constant 0 : i32
    %c0_i32_2 = arith.constant 0 : i32
    return %c0_i32, %min3A_1 : i32, i32
  }
  func.func @transform_14(%arg0: i32) -> (i32, i32) {
    %add3A = arith.constant 96 : i32
    %add3A_0 = arith.addi %add3A, %arg0 : i32
    %min3A = arith.constant 122 : i32
    %min3A_1 = arith.minsi %add3A_0, %min3A : i32
    %c0_i32 = arith.constant 0 : i32
    %c0_i32_2 = arith.constant 0 : i32
    return %c0_i32, %min3A_1 : i32, i32
  }
  func.func @transform_15(%arg0: i32) -> (i32, i32) {
    %add3A = arith.constant 112 : i32
    %add3A_0 = arith.addi %add3A, %arg0 : i32
    %min3A = arith.constant 122 : i32
    %min3A_1 = arith.minsi %add3A_0, %min3A : i32
    %c0_i32 = arith.constant 0 : i32
    %c0_i32_2 = arith.constant 0 : i32
    return %c0_i32, %min3A_1 : i32, i32
  }
  func.func @transform_16(%arg0: i32) -> (i32, i32) {
    %c0_i32 = arith.constant 0 : i32
    %c0_i32_0 = arith.constant 0 : i32
    %c0_i32_1 = arith.constant 0 : i32
    return %c0_i32, %c0_i32_0 : i32, i32
  }
  func.func @transform_17(%arg0: i32) -> (i32, i32) {
    %c0_i32 = arith.constant 0 : i32
    %c0_i32_0 = arith.constant 0 : i32
    %c0_i32_1 = arith.constant 0 : i32
    return %c0_i32, %c0_i32_0 : i32, i32
  }
  func.func @transform_18(%arg0: i32) -> (i32, i32) {
    %c0_i32 = arith.constant 0 : i32
    %c0_i32_0 = arith.constant 0 : i32
    %c0_i32_1 = arith.constant 0 : i32
    return %c0_i32, %c0_i32_0 : i32, i32
  }
  func.func @transform_19(%arg0: i32) -> (i32, i32) {
    %c0_i32 = arith.constant 0 : i32
    %c0_i32_0 = arith.constant 0 : i32
    %c0_i32_1 = arith.constant 0 : i32
    return %c0_i32, %c0_i32_0 : i32, i32
  }
  func.func @transform_20(%arg0: i32) -> (i32, i32) {
    %c0_i32 = arith.constant 0 : i32
    %c0_i32_0 = arith.constant 0 : i32
    return %arg0, %c0_i32 : i32, i32
  }
  func.func @transform_21(%arg0: i32) -> (i32, i32) {
    %c0_i32 = arith.constant 0 : i32
    %c0_i32_0 = arith.constant 0 : i32
    return %arg0, %c0_i32 : i32, i32
  }
}

module attributes {stable_mosaic.version = 14 : i64} {
  func.func @_mlp_body(%arg0: i32, %arg1: memref<2048x128xf32, #tpu.memory_space<vmem>>, %arg2: memref<2048x128xf32, #tpu.memory_space<vmem>>, %arg3: memref<2048x1xi32, #tpu.memory_space<vmem>>, %arg4: memref<2048x1xi32, #tpu.memory_space<vmem>>, %arg5: memref<128x10xf32, #tpu.memory_space<vmem>>, %arg6: memref<128x10xf32, #tpu.memory_space<vmem>>, %arg7: memref<1x10xf32, #tpu.memory_space<vmem>>, %arg8: memref<10x1xf32, #tpu.memory_space<vmem>>, %arg9: memref<1x1xf32, #tpu.memory_space<vmem>>, %arg10: memref<2048x1xf32, #tpu.memory_space<vmem>>) attributes {dimension_semantics = [#tpu.dimension_semantics<arbitrary>], iteration_bounds = array<i64: 8>, scalar_prefetch = 0 : i64, scratch_operands = 0 : i64, tpu.core_type = #tpu.core_type<tc>, window_params = [{transform_indices = @transform_0, window_bounds = array<i64: 2048, 128>}, {transform_indices = @transform_1, window_bounds = array<i64: 2048, 128>}, {transform_indices = @transform_2, window_bounds = array<i64: 2048, 1>}, {transform_indices = @transform_3, window_bounds = array<i64: 2048, 1>}, {pipeline_mode = #tpu.pipeline_mode<synchronous>, transform_indices = @transform_4, window_bounds = array<i64: 128, 10>}, {pipeline_mode = #tpu.pipeline_mode<synchronous>, transform_indices = @transform_5, window_bounds = array<i64: 128, 10>}, {pipeline_mode = #tpu.pipeline_mode<synchronous>, transform_indices = @transform_6, window_bounds = array<i64: 1, 10>}, {pipeline_mode = #tpu.pipeline_mode<synchronous>, transform_indices = @transform_7, window_bounds = array<i64: 10, 1>}, {pipeline_mode = #tpu.pipeline_mode<synchronous>, transform_indices = @transform_8, window_bounds = array<i64: 1, 1>}, {transform_indices = @transform_9, window_bounds = array<i64: 2048, 1>}]} {
    %iota3A = tpu.iota {dimensions = array<i32: 1>} : vector<1x128xi32>
    %jit3A = arith.constant 16 : i32
    %div3A = vector.broadcast %jit3A : i32 to vector<1x128xi32>
    %div3A_0 = arith.divsi %iota3A, %div3A : vector<1x128xi32>
    %sign3A = arith.constant 0 : i32
    %sign3A_1 = vector.broadcast %sign3A : i32 to vector<1x128xi32>
    %sign3A_2 = arith.cmpi sgt, %iota3A, %sign3A_1 : vector<1x128xi32>
    %sign3A_3 = arith.extui %sign3A_2 : vector<1x128xi1> to vector<1x128xi32>
    %sign3A_4 = arith.constant 0 : i32
    %sign3A_5 = vector.broadcast %sign3A_4 : i32 to vector<1x128xi32>
    %sign3A_6 = arith.cmpi slt, %iota3A, %sign3A_5 : vector<1x128xi32>
    %sign3A_7 = arith.extui %sign3A_6 : vector<1x128xi1> to vector<1x128xi32>
    %sign3A_8 = arith.subi %sign3A_3, %sign3A_7 : vector<1x128xi32>
    %sign3A_9 = arith.constant 0 : i32
    %sign3A_10 = arith.cmpi sgt, %jit3A, %sign3A_9 : i32
    %sign3A_11 = arith.extui %sign3A_10 : i1 to i32
    %sign3A_12 = arith.constant 0 : i32
    %sign3A_13 = arith.cmpi slt, %jit3A, %sign3A_12 : i32
    %sign3A_14 = arith.extui %sign3A_13 : i1 to i32
    %sign3A_15 = arith.subi %sign3A_11, %sign3A_14 : i32
    %ne3A = vector.broadcast %sign3A_15 : i32 to vector<1x128xi32>
    %ne3A_16 = arith.cmpi ne, %sign3A_8, %ne3A : vector<1x128xi32>
    %rem3A = vector.broadcast %jit3A : i32 to vector<1x128xi32>
    %rem3A_17 = arith.remsi %iota3A, %rem3A : vector<1x128xi32>
    %ne3A_18 = arith.constant 0 : i32
    %ne3A_19 = vector.broadcast %ne3A_18 : i32 to vector<1x128xi32>
    %ne3A_20 = arith.cmpi ne, %rem3A_17, %ne3A_19 : vector<1x128xi32>
    %and3A = arith.andi %ne3A_16, %ne3A_20 : vector<1x128xi1>
    %sub3A = arith.constant 1 : i32
    %sub3A_21 = vector.broadcast %sub3A : i32 to vector<1x128xi32>
    %sub3A_22 = arith.subi %div3A_0, %sub3A_21 : vector<1x128xi32>
    %select_n3A = arith.select %and3A, %sub3A_22, %div3A_0 : vector<1x128xi1>, vector<1x128xi32>
    %get3A = arith.constant 0 : index
    %get3A_23 = arith.constant 0 : index
    %get3A_24 = vector.load %arg1[%get3A, %get3A_23] : memref<2048x128xf32, #tpu.memory_space<vmem>>, vector<2048x128xf32>
    %get3A_25 = arith.constant 0 : index
    %get3A_26 = arith.constant 0 : index
    %get3A_27 = vector.load %arg3[%get3A_25, %get3A_26] : memref<2048x1xi32, #tpu.memory_space<vmem>>, vector<2048x1xi32>
    %eq3A = vector.broadcast %select_n3A : vector<1x128xi32> to vector<2048x128xi32>
    %eq3A_28 = vector.broadcast %get3A_27 : vector<2048x1xi32> to vector<2048x128xi32>
    %eq3A_29 = arith.cmpi eq, %eq3A, %eq3A_28 : vector<2048x128xi32>
    %convert_element_type3A = arith.extui %eq3A_29 : vector<2048x128xi1> to vector<2048x128xi32>
    %convert_element_type3A_30 = arith.sitofp %convert_element_type3A : vector<2048x128xi32> to vector<2048x128xf32>
    %mul3A = arith.mulf %get3A_24, %convert_element_type3A_30 : vector<2048x128xf32>
    %get3A_31 = arith.constant 0 : index
    %get3A_32 = arith.constant 0 : index
    %get3A_33 = vector.load %arg2[%get3A_31, %get3A_32] : memref<2048x128xf32, #tpu.memory_space<vmem>>, vector<2048x128xf32>
    %get3A_34 = arith.constant 0 : index
    %get3A_35 = arith.constant 0 : index
    %get3A_36 = vector.load %arg4[%get3A_34, %get3A_35] : memref<2048x1xi32, #tpu.memory_space<vmem>>, vector<2048x1xi32>
    %eq3A_37 = vector.broadcast %select_n3A : vector<1x128xi32> to vector<2048x128xi32>
    %eq3A_38 = vector.broadcast %get3A_36 : vector<2048x1xi32> to vector<2048x128xi32>
    %eq3A_39 = arith.cmpi eq, %eq3A_37, %eq3A_38 : vector<2048x128xi32>
    %convert_element_type3A_40 = arith.extui %eq3A_39 : vector<2048x128xi1> to vector<2048x128xi32>
    %convert_element_type3A_41 = arith.sitofp %convert_element_type3A_40 : vector<2048x128xi32> to vector<2048x128xf32>
    %mul3A_42 = arith.mulf %get3A_33, %convert_element_type3A_41 : vector<2048x128xf32>
    %get3A_43 = arith.constant 0 : index
    %get3A_44 = arith.constant 0 : index
    %get3A_45 = vector.load %arg5[%get3A_43, %get3A_44] : memref<128x10xf32, #tpu.memory_space<vmem>>, vector<128x10xf32>
    %dot_general3A = arith.constant dense<0.000000e+00> : vector<2048x10xf32>
    %dot_general3A_46 = tpu.matmul %mul3A, %get3A_45, %dot_general3A {dimension_numbers = #tpu.dot_dimension_numbers<[1], [0], [0], [1], [0, 0, 1, 1], [], []>, transpose_lhs_hint = false} : vector<2048x128xf32>, vector<128x10xf32>, vector<2048x10xf32> -> vector<2048x10xf32>
    %get3A_47 = arith.constant 0 : index
    %get3A_48 = arith.constant 0 : index
    %get3A_49 = vector.load %arg6[%get3A_47, %get3A_48] : memref<128x10xf32, #tpu.memory_space<vmem>>, vector<128x10xf32>
    %dot_general3A_50 = arith.constant dense<0.000000e+00> : vector<2048x10xf32>
    %dot_general3A_51 = tpu.matmul %mul3A_42, %get3A_49, %dot_general3A_50 {dimension_numbers = #tpu.dot_dimension_numbers<[1], [0], [0], [1], [0, 0, 1, 1], [], []>, transpose_lhs_hint = false} : vector<2048x128xf32>, vector<128x10xf32>, vector<2048x10xf32> -> vector<2048x10xf32>
    %add3A = arith.addf %dot_general3A_46, %dot_general3A_51 : vector<2048x10xf32>
    %get3A_52 = arith.constant 0 : index
    %get3A_53 = arith.constant 0 : index
    %get3A_54 = vector.load %arg7[%get3A_52, %get3A_53] : memref<1x10xf32, #tpu.memory_space<vmem>>, vector<1x10xf32>
    %add3A_55 = vector.broadcast %get3A_54 : vector<1x10xf32> to vector<2048x10xf32>
    %add3A_56 = arith.addf %add3A, %add3A_55 : vector<2048x10xf32>
    %max3A = arith.constant 0.000000e+00 : f32
    %max3A_57 = vector.broadcast %max3A : f32 to vector<2048x10xf32>
    %max3A_58 = arith.maximumf %add3A_56, %max3A_57 : vector<2048x10xf32>
    %get3A_59 = arith.constant 0 : index
    %get3A_60 = arith.constant 0 : index
    %get3A_61 = vector.load %arg8[%get3A_59, %get3A_60] : memref<10x1xf32, #tpu.memory_space<vmem>>, vector<10x1xf32>
    %dot_general3A_62 = arith.constant dense<0.000000e+00> : vector<2048x1xf32>
    %dot_general3A_63 = tpu.matmul %max3A_58, %get3A_61, %dot_general3A_62 {dimension_numbers = #tpu.dot_dimension_numbers<[1], [0], [0], [1], [0, 0, 1, 1], [], []>, transpose_lhs_hint = false} : vector<2048x10xf32>, vector<10x1xf32>, vector<2048x1xf32> -> vector<2048x1xf32>
    %get3A_64 = arith.constant 0 : index
    %get3A_65 = arith.constant 0 : index
    %get3A_66 = vector.load %arg9[%get3A_64, %get3A_65] : memref<1x1xf32, #tpu.memory_space<vmem>>, vector<1x1xf32>
    %add3A_67 = vector.broadcast %get3A_66 : vector<1x1xf32> to vector<2048x1xf32>
    %add3A_68 = arith.addf %dot_general3A_63, %add3A_67 : vector<2048x1xf32>
    %logistic3A = arith.negf %add3A_68 : vector<2048x1xf32>
    %logistic3A_69 = math.exp %logistic3A : vector<2048x1xf32>
    %logistic3A_70 = arith.constant 1.000000e+00 : f32
    %logistic3A_71 = vector.broadcast %logistic3A_70 : f32 to vector<2048x1xf32>
    %logistic3A_72 = arith.addf %logistic3A_71, %logistic3A_69 : vector<2048x1xf32>
    %logistic3A_73 = arith.divf %logistic3A_71, %logistic3A_72 : vector<2048x1xf32>
    %swap3A = arith.constant 0 : index
    %swap3A_74 = arith.constant 0 : index
    %swap3A_75 = vector.load %arg10[%swap3A, %swap3A_74] : memref<2048x1xf32, #tpu.memory_space<vmem>>, vector<2048x1xf32>
    tpu.vector_store %arg10[%swap3A, %swap3A_74], %logistic3A_73 {strides = array<i32>} : memref<2048x1xf32, #tpu.memory_space<vmem>>, vector<2048x1xf32>,
    return
  }
  func.func @transform_0(%arg0: i32) -> (i32, i32) {
    %c0_i32 = arith.constant 0 : i32
    %c0_i32_0 = arith.constant 0 : i32
    return %arg0, %c0_i32 : i32, i32
  }
  func.func @transform_1(%arg0: i32) -> (i32, i32) {
    %c0_i32 = arith.constant 0 : i32
    %c0_i32_0 = arith.constant 0 : i32
    return %arg0, %c0_i32 : i32, i32
  }
  func.func @transform_2(%arg0: i32) -> (i32, i32) {
    %c0_i32 = arith.constant 0 : i32
    %c0_i32_0 = arith.constant 0 : i32
    return %arg0, %c0_i32 : i32, i32
  }
  func.func @transform_3(%arg0: i32) -> (i32, i32) {
    %c0_i32 = arith.constant 0 : i32
    %c0_i32_0 = arith.constant 0 : i32
    return %arg0, %c0_i32 : i32, i32
  }
  func.func @transform_4(%arg0: i32) -> (i32, i32) {
    %c0_i32 = arith.constant 0 : i32
    %c0_i32_0 = arith.constant 0 : i32
    %c0_i32_1 = arith.constant 0 : i32
    return %c0_i32, %c0_i32_0 : i32, i32
  }
  func.func @transform_5(%arg0: i32) -> (i32, i32) {
    %c0_i32 = arith.constant 0 : i32
    %c0_i32_0 = arith.constant 0 : i32
    %c0_i32_1 = arith.constant 0 : i32
    return %c0_i32, %c0_i32_0 : i32, i32
  }
  func.func @transform_6(%arg0: i32) -> (i32, i32) {
    %c0_i32 = arith.constant 0 : i32
    %c0_i32_0 = arith.constant 0 : i32
    %c0_i32_1 = arith.constant 0 : i32
    return %c0_i32, %c0_i32_0 : i32, i32
  }
  func.func @transform_7(%arg0: i32) -> (i32, i32) {
    %c0_i32 = arith.constant 0 : i32
    %c0_i32_0 = arith.constant 0 : i32
    %c0_i32_1 = arith.constant 0 : i32
    return %c0_i32, %c0_i32_0 : i32, i32
  }
  func.func @transform_8(%arg0: i32) -> (i32, i32) {
    %c0_i32 = arith.constant 0 : i32
    %c0_i32_0 = arith.constant 0 : i32
    %c0_i32_1 = arith.constant 0 : i32
    return %c0_i32, %c0_i32_0 : i32, i32
  }
  func.func @transform_9(%arg0: i32) -> (i32, i32) {
    %c0_i32 = arith.constant 0 : i32
    %c0_i32_0 = arith.constant 0 : i32
    return %arg0, %c0_i32 : i32, i32
  }
}

</mosaic_0001>

<sc_bundles>
// kernel: kernel.5.cloned.1.call-start
scs
__scs_entry_jumppad:
0x0: {  	(pc) =	sbr.rel $0x88, $3  }
0x1: {  	(tag) =	ssettag $0x0;
	lr =	simm.s32 $0x1  }
0x2: {  	[smem:$0x3F96] =	sst lr;
	_ =	strace $0xD0000000  }
0x3: {  	_ = 	snop  }
0x4: {  	_ = 	snop  }
0x5: {  	_ = 	snop  }
0x6: {  	_ = 	snop  }
0x7: {  	_ = 	snop  }
__scs_overlays_trampoline_lowered:
0x8: {  	[smem:$0x3FA5] =	sst s0  }
0x9: {  	[smem:$0x3FA6] =	sst s1  }
0xa: {  	[smem:$0x3FA7] =	sst s2  }
0xb: {  	[smem:$0x3FA8] =	sst s3  }
0xc: {  	[smem:$0x3FA9] =	sst s4  }
0xd: {  	[smem:$0x3FAA] =	sst s5  }
0xe: {  	[smem:$0x3FAB] =	sst s6  }
0xf: {  	[smem:$0x3FAC] =	sst s7  }
0x10: {  	[smem:$0x3FAD] =	sst s8  }
0x11: {  	[smem:$0x3FAE] =	sst s9;
	s0 =	simm.s32 @!p0 $0x0  }
0x12: {  	s1 =	sld [smem:$0x3F94];
	s0 =	simm.s32 @p0 $0x1  }
0x13: {  	[smem:$0x3FAF] =	sst s0;
	s0 =	simm.s32 @!p1 $0x0  }
0x14: {  	s2 =	sld [smem:$0x3F93];
	s0 =	simm.s32 @p1 $0x1  }
0x15: {  	[smem:$0x3FB0] =	sst s0;
	s0 =	simm.s32 @!p2 $0x0  }
0x16: {  	s3 =	sld [smem:$0x3FDB];
	s0 =	simm.s32 @p2 $0x1  }
0x17: {  	s4 =	simm.s32 $0x1BF5;
	[smem:$0x3FB2] =	sst s0  }
0x18: {  	s0 =	sld [smem:$0x3F95];
	_ =	swait.ge [sflag:s4], $0x0  }
0x19: {  	s7 =	sld [smem:$0x3F96]  }
0x1a: {  	s8 =	sadd.s32 $0xFFFFE003, lr  }
0x1b: {  	s9 =	sadd.s32 $0xFFFFFEF7, lr;
	s5 =	simm.s32 $0xFFFFFFFF;
	p2 =	slt.u32 s8, $0xFFFFF086  }
0x1c: {  	p1 =	slt.u32 s9, $0xF7A;
	s5 =	simm.s32 @!p2 $0x0  }
0x1d: {  	s5 =	simm.s32 @p1 $0x1;
	p0 =	seq.s32 s7, s2  }
0x1e: {  	s7 =	smul.u32 @!p0 $0xF7A, s2;
	p2 =	seq.s32 @!p0 s5, $0x0  }
0x1f: {  	s9 =	smul.u32 $0xF7A, s1;
	s8 =	simm.s32 @!p0 $0x1BF5;
	p2 =	por !p2, p0  }
0x20: {  	[sflag:s8] =	ssyncset.s32 @!p0 $0xFFFFF086;
	s6 =	sadd.s32 @!p0 s3, s7;
	s7 =	simm.s32 @!p0 $0x108  }
0x21: {  	s3 =	sadd.s32 s3, s9;
	s6 =	sadd.s32 @!p0 $0x88, s6;
	s7 =	simm.s32 @p2 $0x1082  }
0x22: {  	[simem:s7], [sflag:s8] =	dma.local @!p0 [hbm:s6], $0xF7A  }
0x23: {  	s9 =	sor.u32 $0xD0000000, s2;
	s6 =	simm.s32 $0x108;
	_ =	swait.ge @!p0 [sflag:s8], $0x0  }
0x24: {  	s3 =	sadd.s32 $0x88, s3;
	s6 =	simm.s32 @!p1 $0x1082;
	[sflag:s4] =	ssyncset.s32 $0xFFFFF086  }
0x25: {  	[simem:s6], [sflag:s4] =	dma.local [hbm:s3], $0xF7A  }
0x26: {  	[smem:$0x3F96] =	sst s1;
	(tag) =	ssettag s2;
	_ =	strace s9  }
0x27: {  	s1 =	sld [smem:$0x3FA6]  }
0x28: {  	s2 =	sld [smem:$0x3FA7]  }
0x29: {  	s4 =	sld [smem:$0x3FA9]  }
0x2a: {  	p0 =	seq.s32 s5, $0x0;
	s5 =	sld [smem:$0x3FAA]  }
0x2b: {  	s6 =	sld [smem:$0x3FAB]  }
0x2c: {  	s7 =	sld [smem:$0x3FAC]  }
0x2d: {  	s3 =	simm.s32 $0x108;
	s8 =	sld [smem:$0x3FAD]  }
0x2e: {  	s3 =	simm.s32 @!p0 $0x1082;
	s9 =	sld [smem:$0x3FAE]  }
0x2f: {  	lr =	sadd.s32 s0, s3;
	s0 =	sld [smem:$0x3FA5]  }
0x30: {  	s3 =	sld [smem:$0x3FA8]  }
0x31: {  	[smem:$0x3FB1] =	sst s10  }
0x32: {  	s10 =	sld [smem:$0x3FAF];
	_ =	sdelay $0x3  }
0x33: {  	p0 =	seq.s32 s10, $0x1;
	s10 =	sld [smem:$0x3FB1];
	_ =	sdelay $0x3  }
0x34: {  	[smem:$0x3FB1] =	sst s10  }
0x35: {  	s10 =	sld [smem:$0x3FB0];
	_ =	sdelay $0x3  }
0x36: {  	p1 =	seq.s32 s10, $0x1;
	s10 =	sld [smem:$0x3FB1];
	_ =	sdelay $0x3  }
0x37: {  	[smem:$0x3FB1] =	sst s10  }
0x38: {  	s10 =	sld [smem:$0x3FB2]  }
0x39: {  	_ = 	snop;
	(pc) =	sbr.ind lr, $3  }
0x3a: {  	_ = 	snop  }
0x3b: {  	_ = 	snop  }
0x3c: {  	p2 =	seq.s32 s10, $0x1;
	s10 =	sld [smem:$0x3FB1]  }
0x3d: {  	_ =	shalt  }
0x3e: {  	_ =	shalt  }
0x3f: {  	_ =	shalt  }
0x40: {  	_ =	shalt  }
0x41: {  	_ =	shalt  }
0x42: {  	_ =	shalt  }
0x43: {  	_ =	shalt  }
0x44: {  	_ =	shalt  }
0x45: {  	_ =	shalt  }
0x46: {  	_ =	shalt  }
0x47: {  	_ =	shalt  }
0x48: {  	_ =	shalt  }
0x49: {  	_ =	shalt  }
0x4a: {  	_ =	shalt  }
0x4b: {  	_ =	shalt  }
0x4c: {  	_ =	shalt  }
0x4d: {  	_ =	shalt  }
0x4e: {  	_ =	shalt  }
0x4f: {  	_ =	shalt  }
0x50: {  	_ =	shalt  }
0x51: {  	_ =	shalt  }
0x52: {  	_ =	shalt  }
0x53: {  	_ =	shalt  }
0x54: {  	_ =	shalt  }
0x55: {  	_ =	shalt  }
0x56: {  	_ =	shalt  }
0x57: {  	_ =	shalt  }
0x58: {  	_ =	shalt  }
0x59: {  	_ =	shalt  }
0x5a: {  	_ =	shalt  }
0x5b: {  	_ =	shalt  }
0x5c: {  	_ =	shalt  }
0x5d: {  	_ =	shalt  }
0x5e: {  	_ =	shalt  }
0x5f: {  	_ =	shalt  }
0x60: {  	_ =	shalt  }
0x61: {  	_ =	shalt  }
0x62: {  	_ =	shalt  }
0x63: {  	_ =	shalt  }
0x64: {  	_ =	shalt  }
0x65: {  	_ =	shalt  }
0x66: {  	_ =	shalt  }
0x67: {  	_ =	shalt  }
0x68: {  	_ =	shalt  }
0x69: {  	_ =	shalt  }
0x6a: {  	_ =	shalt  }
0x6b: {  	_ =	shalt  }
0x6c: {  	_ =	shalt  }
0x6d: {  	_ =	shalt  }
0x6e: {  	_ =	shalt  }
0x6f: {  	_ =	shalt  }
0x70: {  	_ =	shalt  }
0x71: {  	_ =	shalt  }
0x72: {  	_ =	shalt  }
0x73: {  	_ =	shalt  }
0x74: {  	_ =	shalt  }
0x75: {  	_ =	shalt  }
0x76: {  	_ =	shalt  }
0x77: {  	_ =	shalt  }
0x78: {  	_ =	shalt  }
0x79: {  	_ =	shalt  }
0x7a: {  	_ =	shalt  }
0x7b: {  	_ =	shalt  }
0x7c: {  	_ =	shalt  }
0x7d: {  	_ =	shalt  }
0x7e: {  	_ =	shalt  }
0x7f: {  	_ =	shalt  }
0x80: {  	_ =	shalt  }
0x81: {  	_ =	shalt  }
0x82: {  	_ =	shalt  }
0x83: {  	_ =	shalt  }
0x84: {  	_ =	shalt  }
0x85: {  	_ =	shalt  }
0x86: {  	_ =	shalt  }
0x87: {  	_ =	shalt  }
.Lfunc_end0:
.L_simem_size_0:
called_computation_lowered:
.L_overlay_start_0:
0x88: {  	s2 =	sld [smem:$0x3FD9]  }
0x89: {  	s3 =	sld [smem:$0x3FFE];
	_ =	sdelay $0x1  }
0x8a: {  	s1 =	srdreg.scid  }
0x8b: {  	s0 =	sand.u32 $0x1, s1  }
0x8c: {  	s17 =	sshll.u32 s0, $0xA;
	s2 =	sadd.s32 s3, s2  }
0x8d: {  	s2 =	sadd.s32 s2, s17  }
0x8e: {  	[smem:$0x3FBD] =	sst s2  }
0x8f: {  	_ = 	snop  }
0x90: {  	s2 =	sld [smem:$0x3FD0];
	(tm) =	ssettm $0x1  }
0x91: {  	s18 =	sld [smem:$0x3FFB];
	_ =	sdelay $0x3  }
0x92: {  	_ =	strace s18  }
0x93: {  	s3 =	sld [smem:$0x3FFC];
	_ =	sdelay $0x3  }
0x94: {  	_ =	strace s3  }
0x95: {  	s3 =	sld [smem:$0x3FFD];
	_ =	sdelay $0x3  }
0x96: {  	_ =	strace s3  }
0x97: {  	_ =	strace $0x8FFFFFFF  }
0x98: {  	s19 =	sld [smem:$0x3FDB];
	_ =	sdelay $0x1  }
0x99: {  	s4 =	simm.s32 $_scs_section_size  }
0x9a: {  	s5 =	simm.s32 $_size__tile_overlayer_lowered;
	s6 =	simm.s32 $_tile_overlayer_lowered  }
0x9b: {  	s22 =	simm.s32 $0x1BFF;
	s21 =	sshll.u32 s6, $0x1;
	s3 =	sadd.s32 s4, s19  }
0x9c: {  	s7 =	simm.s32 $0x0;
	s20 =	sshll.u32 s5, $0x1;
	s5 =	sadd.s32 s21, s3  }
0x9d: {  	[timem:s7], [sflag:s22] =	dma.local [hbm:s5], s20  }
0x9e: {  	_ =	swait.ge [sflag:s22], s20  }
0x9f: {  	s4 =	ssub.s32 $0x0, s20;
	[sflag:s22] =	ssyncset.done $0x0  }
0xa0: {  	[sflag:s22] =	ssyncadd.s32 s4;
	_ =	sdelay $0x1  }
0xa1: {  	s23 =	simm.s32 $0x1B8B  }
0xa2: {  	_ =	swait.ge [sflag:s23], $0x1  }
0xa3: {  	[sflag:s23] =	ssyncset.done $0x0  }
0xa4: {  	s25 =	simm.s32 $0x1B8E;
	s24 =	sld [smem:$0x3FFE];
	[sflag:s23] =	ssyncadd.s32 $0xFFFFFFFF  }
0xa5: {  	s26 =	simm.s32 $execute0_lowered;
	[smem:$0x3FD2] =	sst s25  }
0xa6: {  	s5 =	sshll.u32 s26, $0x1;
	_ =	strace $0x80000046;
	[dreg:$0x1] =	wrdreg $0xFFFFFFFF  }
0xa7: {  	s28 =	simm.s32 $_size_execute0_lowered;
	s3 =	sadd.s32 s3, s5;
	[dreg:$0x0] =	wrdreg $0x0  }
0xa8: {  	s5 =	sshll.u32 s28, $0x1;
	[dreg:$0x2] =	wrdreg s3  }
0xa9: {  	[dreg:$0x3] =	wrdreg s5  }
0xaa: {  	[dreg:$0x4] =	wrdreg $0xC0  }
0xab: {  	_ =	task [dreg:s7], $0x5FFFF  }
0xac: {  	[dreg:$0x1] =	wrdreg $0xFFFFFFFF  }
0xad: {  	[dreg:$0x0] =	wrdreg $0x60  }
0xae: {  	[dreg:$0x2] =	wrdreg s24  }
0xaf: {  	[dreg:$0x3] =	wrdreg s2  }
0xb0: {  	[dreg:$0x4] =	wrdreg $0x9  }
0xb1: {  	_ =	task.clear_ibuf [dreg:s7], $0x5FFFF;
	_ =	strace $0x90000046  }
0xb2: {  	s29 =	simm.s32 $0x9;
	_ =	strace $0x80000048  }
0xb3: {  	_ =	swait.ge [sflag:s29], $0x1  }
0xb4: {  	[sflag:s29] =	ssyncadd.s32 $0xFFFFFFFF  }
0xb5: {  	_ =	strace $0x90000048  }
0xb6: {  	_ =	sfence  }
0xb7: {  	s30 =	sld [smem:$0x0];
	_ =	sdelay $0x2  }
0xb8: {  	s31 =	sshll.u32 s1, $0xD;
	s1 =	sshrl.u32 s1, $0x2  }
0xb9: {  	s3 =	sand.u32 $0x4000, s31;
	s1 =	sadd.s32 s1, s30  }
0xba: {  	s0 =	sor.u32 s3, s0;
	s1 =	sshll.u32 s1, $0x11  }
0xbb: {  	s0 =	sor.u32 s1, s0  }
0xbc: {  	s0 =	sadd.s32 $0x8F2B, s0  }
0xbd: {  	[sflag:s0] =	ssyncadd.remote.s32 $0x1  }
0xbe: {  	_ =	sfence.sel $0xFFFF  }
0xbf: {  	[dreg:$0x0] =	wrdreg $0xFFFFFFFF;
	(pc) =	sbr.abs _section_cstart, $3  }
0xc0: {  	[dreg:$0x1] =	wrdreg $0xFFFFFFFF  }
0xc1: {  	_ =	task.clear_ibuf [dreg:s7], $0x2FFFF;
	_ =	strace $0x9FFFFFFF  }
0xc2: {  	(tm) =	ssettm $0x7FFFFFFF  }
0xc3: {  	_ =	shalt  }
tec
execute0_lowered:
.L_overlay_start_1:
0x0: {  	(tag) =	ssettag $0x1  }
0x1: {  	s1 =	srdreg.scid  }
0x2: {  	s0 =	stileid.u32;
	s29 =	sand.u32 $0x1, s1  }
0x3: {  	s26 =	sshll.u32 s0, $0xA;
	s2 =	sshll.u32 s29, $0x9  }
0x4: {  	s16 =	sor.u32 s2, s26  }
0x5: {  	s17 =	rddreg [dreg:$0x0];
	s5 =	sshrl.u32 s16, $0x3  }
0x6: {  	s4 =	rddreg [dreg:$0x1];
	s2 =	simm.s32 $0x0;
	s3 =	sadd.s32 s5, s17  }
0x7: {  	[smem:$0x7FF] =	sst s2;
	s3 =	sadd.s32 $0x3C00, s3  }
0x8: {  	_ =	strace $0x80000047;
	[dreg:$0x3] =	wrdreg s3  }
0x9: {  	s3 =	simm.s32 $0x5;
	s6 =	rddreg [dreg:$0x3]  }
0xa: {  	[tilespmem:s2], [sflag:$0x5] =	stream.linear.gather [hbm4b:s6+s2], $0x200, $0x38;
	[tilespmem:$0x10400] =	vst v63  }
0xb: {  	_ =	swait.ge [sflag:s3], $0x200  }
0xc: {  	[sflag:s3] =	ssyncset.done $0x0  }
0xd: {  	s4 =	sadd.s32 s4, s5;
	s5 =	simm.s32 $0x200;
	[sflag:s3] =	ssyncadd.s32 $0xFFFFFE00  }
0xe: {  	[tilespmem:s5], [sflag:$0x5] =	stream.linear.gather [hbm4b:s4+s2], $0x200, $0x38;
	[tilespmem:$0x10400] =	vst v63  }
0xf: {  	_ =	swait.ge [sflag:s3], $0x200  }
0x10: {  	s7 =	simm.s32 $0x80;
	[sflag:s3] =	ssyncset.done $0x0  }
0x11: {  	s8 =	simm.s32 $0x400;
	s6 =	sadd.s32 $0x84400, s17;
	[sflag:s3] =	ssyncadd.s32 $0xFFFFFE00  }
0x12: {  	[tilespmem:s8], [sflag:$0x1] =	stream.indirect.gather [hbm4b:s6+s7], $0x80, s2, s7, $0xb8;
	[tilespmem:$0x10400] =	vst v63  }
0x13: {  	s10 =	simm.s32 $0x8400;
	s9 =	sadd.s32 $0x284400, s17  }
0x14: {  	[tilespmem:s10], [sflag:$0x3] =	stream.indirect.gather [hbm4b:s9+s7], $0x80, s5, s7, $0xb8;
	[tilespmem:$0x10400] =	vst v63  }
0x15: {  	s11 =	simm.s32 $0x4400  }
0x16: {  	[tilespmem:s11], [sflag:$0x2] =	stream.indirect.gather [hbm4b:s6+s7], $0x80, s7, s7, $0xb8;
	[tilespmem:$0x10400] =	vst v63  }
0x17: {  	s12 =	simm.s32 $0x280;
	s13 =	simm.s32 $0xC400;
	s14 =	simm.s32 $0x1  }
0x18: {  	[tilespmem:s13], [sflag:$0x4] =	stream.indirect.gather [hbm4b:s9+s7], $0x80, s12, s7, $0xb8;
	[tilespmem:$0x10400] =	vst v63  }
0x19: {  	_ =	swait.ge [sflag:s14], $0x4000  }
0x1a: {  	[sflag:s14] =	ssyncset.done $0x0  }
0x1b: {  	s15 =	simm.s32 $0x3;
	[sflag:s14] =	ssyncadd.s32 $0xFFFFC000  }
0x1c: {  	_ =	swait.ge [sflag:s15], $0x4000  }
0x1d: {  	s30 =	sadd.s32 $0x484400, s17;
	s1 =	sshll.u32 s16, $0x4;
	[sflag:s15] =	ssyncset.done $0x0  }
0x1e: {  	s16 =	sadd.s32 s30, s1;
	[sflag:s15] =	ssyncadd.s32 $0xFFFFC000  }
0x1f: {  	[hbm4b:s16+s2] =	stream.linear.scatter [tilespmem:s8], [sflag:$0x5], $0x4000, $0x38;
	[tilespmem:$0x10400] =	vst v63  }
0x20: {  	_ =	swait.ge [sflag:s3], $0x4000  }
0x21: {  	s31 =	sadd.s32 $0x4C4400, s17;
	[sflag:s3] =	ssyncset.done $0x0  }
0x22: {  	s17 =	sadd.s32 s31, s1;
	[sflag:s3] =	ssyncadd.s32 $0xFFFFC000  }
0x23: {  	[hbm4b:s17+s2] =	stream.linear.scatter [tilespmem:s10], [sflag:$0x5], $0x4000, $0x38;
	[tilespmem:$0x10400] =	vst v63  }
0x24: {  	_ =	swait.ge [sflag:s3], $0x4000  }
0x25: {  	[sflag:s3] =	ssyncset.done $0x0  }
0x26: {  	s18 =	simm.s32 $0x100;
	[sflag:s3] =	ssyncadd.s32 $0xFFFFC000  }
0x27: {  	[tilespmem:s8], [sflag:$0x1] =	stream.indirect.gather [hbm4b:s6+s7], $0x80, s18, s7, $0xb8;
	[tilespmem:$0x10400] =	vst v63  }
0x28: {  	s19 =	simm.s32 $0x300;
	s20 =	simm.s32 $0x2  }
0x29: {  	[tilespmem:s10], [sflag:$0x3] =	stream.indirect.gather [hbm4b:s9+s7], $0x80, s19, s7, $0xb8;
	[tilespmem:$0x10400] =	vst v63  }
0x2a: {  	_ =	swait.ge [sflag:s20], $0x4000  }
0x2b: {  	[sflag:s20] =	ssyncset.done $0x0  }
0x2c: {  	s21 =	simm.s32 $0x4;
	[sflag:s20] =	ssyncadd.s32 $0xFFFFC000  }
0x2d: {  	_ =	swait.ge [sflag:s21], $0x4000  }
0x2e: {  	s23 =	sor.u32 $0x800, s1;
	[sflag:s21] =	ssyncset.done $0x0  }
0x2f: {  	s22 =	sadd.s32 s30, s23;
	[sflag:s21] =	ssyncadd.s32 $0xFFFFC000  }
0x30: {  	[hbm4b:s22+s2] =	stream.linear.scatter [tilespmem:s11], [sflag:$0x5], $0x4000, $0x38;
	[tilespmem:$0x10400] =	vst v63  }
0x31: {  	_ =	swait.ge [sflag:s3], $0x4000  }
0x32: {  	[sflag:s3] =	ssyncset.done $0x0  }
0x33: {  	s23 =	sadd.s32 s31, s23;
	[sflag:s3] =	ssyncadd.s32 $0xFFFFC000  }
0x34: {  	[hbm4b:s23+s2] =	stream.linear.scatter [tilespmem:s13], [sflag:$0x5], $0x4000, $0x38;
	[tilespmem:$0x10400] =	vst v63  }
0x35: {  	_ =	swait.ge [sflag:s3], $0x4000  }
0x36: {  	[sflag:s3] =	ssyncset.done $0x0  }
0x37: {  	s24 =	simm.s32 $0x180;
	[sflag:s3] =	ssyncadd.s32 $0xFFFFC000  }
0x38: {  	[tilespmem:s11], [sflag:$0x2] =	stream.indirect.gather [hbm4b:s6+s7], $0x80, s24, s7, $0xb8;
	[tilespmem:$0x10400] =	vst v63  }
0x39: {  	s25 =	simm.s32 $0x380  }
0x3a: {  	[tilespmem:s13], [sflag:$0x4] =	stream.indirect.gather [hbm4b:s9+s7], $0x80, s25, s7, $0xb8;
	[tilespmem:$0x10400] =	vst v63  }
0x3b: {  	_ =	swait.ge [sflag:s14], $0x4000  }
0x3c: {  	[sflag:s14] =	ssyncset.done $0x0  }
0x3d: {  	[sflag:s14] =	ssyncadd.s32 $0xFFFFC000  }
0x3e: {  	_ =	swait.ge [sflag:s15], $0x4000  }
0x3f: {  	s28 =	sor.u32 $0x1000, s1;
	[sflag:s15] =	ssyncset.done $0x0  }
0x40: {  	s26 =	sadd.s32 s30, s28;
	[sflag:s15] =	ssyncadd.s32 $0xFFFFC000  }
0x41: {  	[hbm4b:s26+s2] =	stream.linear.scatter [tilespmem:s8], [sflag:$0x5], $0x4000, $0x38;
	[tilespmem:$0x10400] =	vst v63  }
0x42: {  	_ =	swait.ge [sflag:s3], $0x4000  }
0x43: {  	[sflag:s3] =	ssyncset.done $0x0  }
0x44: {  	s28 =	sadd.s32 s31, s28;
	[sflag:s3] =	ssyncadd.s32 $0xFFFFC000  }
0x45: {  	[hbm4b:s28+s2] =	stream.linear.scatter [tilespmem:s10], [sflag:$0x5], $0x4000, $0x38;
	[tilespmem:$0x10400] =	vst v63  }
0x46: {  	_ =	swait.ge [sflag:s3], $0x4000  }
0x47: {  	[sflag:s3] =	ssyncset.done $0x0  }
0x48: {  	[sflag:s3] =	ssyncadd.s32 $0xFFFFC000  }
0x49: {  	_ =	swait.ge [sflag:s20], $0x4000  }
0x4a: {  	s0 =	ssub.s32 $0x2, s29;
	s1 =	sor.u32 $0x1800, s1;
	[sflag:s20] =	ssyncset.done $0x0  }
0x4b: {  	s29 =	sadd.s32 s30, s1;
	s30 =	sshrl.u32 s0, $0x1;
	[sflag:s20] =	ssyncadd.s32 $0xFFFFC000  }
0x4c: {  	s0 =	ssub.s32 s0, s30;
	_ =	swait.ge [sflag:s21], $0x4000  }
0x4d: {  	s0 =	smax.u32 s0, $0x1;
	[sflag:s21] =	ssyncset.done $0x0  }
0x4e: {  	p0 =	sne.s32 s0, $0x1;
	[sflag:s21] =	ssyncadd.s32 $0xFFFFC000  }
0x4f: {  	[hbm4b:s29+s2] =	stream.linear.scatter [tilespmem:s11], [sflag:$0x5], $0x4000, $0x38;
	[tilespmem:$0x10400] =	vst v63  }
.Ltmp0:
0x50: {  	_ =	swait.ge [sflag:s3], $0x4000;
	(pc) =	sbr.rel @!p0 .LBB2_2-.Ltmp0, $4  }
0x51: {  	[sflag:s3] =	ssyncset.done $0x0  }
0x52: {  	s30 =	sadd.s32 s31, s1;
	[sflag:s3] =	ssyncadd.s32 $0xFFFFC000  }
0x53: {  	[hbm4b:s30+s2] =	stream.linear.scatter [tilespmem:s13], [sflag:$0x5], $0x4000, $0x38;
	[tilespmem:$0x10400] =	vst v63  }
0x54: {  	s31 =	sadd.s32 $0xFFFFFFFF, s0;
	_ =	swait.ge [sflag:s3], $0x4000  }
.LBB2_1:
0x55: {  	[sflag:s3] =	ssyncset.done $0x0  }
0x56: {  	s0 =	rddreg [dreg:$0x3];
	[sflag:s3] =	ssyncadd.s32 $0xFFFFC000  }
0x57: {  	[tilespmem:s2], [sflag:$0x5] =	stream.linear.gather [hbm4b:s0+s2], $0x200, $0x38;
	[tilespmem:$0x10400] =	vst v63  }
0x58: {  	_ =	swait.ge [sflag:s3], $0x200  }
0x59: {  	[sflag:s3] =	ssyncset.done $0x0  }
0x5a: {  	[sflag:s3] =	ssyncadd.s32 $0xFFFFFE00  }
0x5b: {  	[tilespmem:s5], [sflag:$0x5] =	stream.linear.gather [hbm4b:s4+s2], $0x200, $0x38;
	[tilespmem:$0x10400] =	vst v63  }
0x5c: {  	_ =	swait.ge [sflag:s3], $0x200  }
0x5d: {  	[sflag:s3] =	ssyncset.done $0x0  }
0x5e: {  	[sflag:s3] =	ssyncadd.s32 $0xFFFFFE00  }
0x5f: {  	[tilespmem:s8], [sflag:$0x1] =	stream.indirect.gather [hbm4b:s6+s7], $0x80, s2, s7, $0xb8;
	[tilespmem:$0x10400] =	vst v63  }
0x60: {  	_ = 	snop  }
0x61: {  	[tilespmem:s10], [sflag:$0x3] =	stream.indirect.gather [hbm4b:s9+s7], $0x80, s5, s7, $0xb8;
	[tilespmem:$0x10400] =	vst v63  }
0x62: {  	_ = 	snop  }
0x63: {  	[tilespmem:s11], [sflag:$0x2] =	stream.indirect.gather [hbm4b:s6+s7], $0x80, s7, s7, $0xb8;
	[tilespmem:$0x10400] =	vst v63  }
0x64: {  	_ = 	snop  }
0x65: {  	[tilespmem:s13], [sflag:$0x4] =	stream.indirect.gather [hbm4b:s9+s7], $0x80, s12, s7, $0xb8;
	[tilespmem:$0x10400] =	vst v63  }
0x66: {  	_ =	swait.ge [sflag:s14], $0x4000  }
0x67: {  	[sflag:s14] =	ssyncset.done $0x0  }
0x68: {  	[sflag:s14] =	ssyncadd.s32 $0xFFFFC000  }
0x69: {  	_ =	swait.ge [sflag:s15], $0x4000  }
0x6a: {  	[sflag:s15] =	ssyncset.done $0x0  }
0x6b: {  	[sflag:s15] =	ssyncadd.s32 $0xFFFFC000  }
0x6c: {  	[hbm4b:s16+s2] =	stream.linear.scatter [tilespmem:s8], [sflag:$0x5], $0x4000, $0x38;
	[tilespmem:$0x10400] =	vst v63  }
0x6d: {  	_ =	swait.ge [sflag:s3], $0x4000  }
0x6e: {  	[sflag:s3] =	ssyncset.done $0x0  }
0x6f: {  	[sflag:s3] =	ssyncadd.s32 $0xFFFFC000  }
0x70: {  	[hbm4b:s17+s2] =	stream.linear.scatter [tilespmem:s10], [sflag:$0x5], $0x4000, $0x38;
	[tilespmem:$0x10400] =	vst v63  }
0x71: {  	_ =	swait.ge [sflag:s3], $0x4000  }
0x72: {  	[sflag:s3] =	ssyncset.done $0x0  }
0x73: {  	[sflag:s3] =	ssyncadd.s32 $0xFFFFC000  }
0x74: {  	[tilespmem:s8], [sflag:$0x1] =	stream.indirect.gather [hbm4b:s6+s7], $0x80, s18, s7, $0xb8;
	[tilespmem:$0x10400] =	vst v63  }
0x75: {  	_ = 	snop  }
0x76: {  	[tilespmem:s10], [sflag:$0x3] =	stream.indirect.gather [hbm4b:s9+s7], $0x80, s19, s7, $0xb8;
	[tilespmem:$0x10400] =	vst v63  }
0x77: {  	_ =	swait.ge [sflag:s20], $0x4000  }
0x78: {  	[sflag:s20] =	ssyncset.done $0x0  }
0x79: {  	[sflag:s20] =	ssyncadd.s32 $0xFFFFC000  }
0x7a: {  	_ =	swait.ge [sflag:s21], $0x4000  }
0x7b: {  	[sflag:s21] =	ssyncset.done $0x0  }
0x7c: {  	[sflag:s21] =	ssyncadd.s32 $0xFFFFC000  }
0x7d: {  	[hbm4b:s22+s2] =	stream.linear.scatter [tilespmem:s11], [sflag:$0x5], $0x4000, $0x38;
	[tilespmem:$0x10400] =	vst v63  }
0x7e: {  	_ =	swait.ge [sflag:s3], $0x4000  }
0x7f: {  	[sflag:s3] =	ssyncset.done $0x0  }
0x80: {  	[sflag:s3] =	ssyncadd.s32 $0xFFFFC000  }
0x81: {  	[hbm4b:s23+s2] =	stream.linear.scatter [tilespmem:s13], [sflag:$0x5], $0x4000, $0x38;
	[tilespmem:$0x10400] =	vst v63  }
0x82: {  	_ =	swait.ge [sflag:s3], $0x4000  }
0x83: {  	[sflag:s3] =	ssyncset.done $0x0  }
0x84: {  	[sflag:s3] =	ssyncadd.s32 $0xFFFFC000  }
0x85: {  	[tilespmem:s11], [sflag:$0x2] =	stream.indirect.gather [hbm4b:s6+s7], $0x80, s24, s7, $0xb8;
	[tilespmem:$0x10400] =	vst v63  }
0x86: {  	_ = 	snop  }
0x87: {  	[tilespmem:s13], [sflag:$0x4] =	stream.indirect.gather [hbm4b:s9+s7], $0x80, s25, s7, $0xb8;
	[tilespmem:$0x10400] =	vst v63  }
0x88: {  	_ =	swait.ge [sflag:s14], $0x4000  }
0x89: {  	[sflag:s14] =	ssyncset.done $0x0  }
0x8a: {  	[sflag:s14] =	ssyncadd.s32 $0xFFFFC000  }
0x8b: {  	_ =	swait.ge [sflag:s15], $0x4000  }
0x8c: {  	[sflag:s15] =	ssyncset.done $0x0  }
0x8d: {  	[sflag:s15] =	ssyncadd.s32 $0xFFFFC000  }
0x8e: {  	[hbm4b:s26+s2] =	stream.linear.scatter [tilespmem:s8], [sflag:$0x5], $0x4000, $0x38;
	[tilespmem:$0x10400] =	vst v63  }
0x8f: {  	_ =	swait.ge [sflag:s3], $0x4000  }
0x90: {  	[sflag:s3] =	ssyncset.done $0x0  }
0x91: {  	[sflag:s3] =	ssyncadd.s32 $0xFFFFC000  }
0x92: {  	[hbm4b:s28+s2] =	stream.linear.scatter [tilespmem:s10], [sflag:$0x5], $0x4000, $0x38;
	[tilespmem:$0x10400] =	vst v63  }
0x93: {  	_ =	swait.ge [sflag:s3], $0x4000  }
0x94: {  	[sflag:s3] =	ssyncset.done $0x0  }
0x95: {  	[sflag:s3] =	ssyncadd.s32 $0xFFFFC000  }
0x96: {  	_ =	swait.ge [sflag:s20], $0x4000  }
0x97: {  	[sflag:s20] =	ssyncset.done $0x0  }
0x98: {  	[sflag:s20] =	ssyncadd.s32 $0xFFFFC000  }
0x99: {  	_ =	swait.ge [sflag:s21], $0x4000  }
0x9a: {  	[sflag:s21] =	ssyncset.done $0x0  }
0x9b: {  	p0 =	sne.s32 s31, $0x1;
	[sflag:s21] =	ssyncadd.s32 $0xFFFFC000  }
0x9c: {  	[hbm4b:s29+s2] =	stream.linear.scatter [tilespmem:s11], [sflag:$0x5], $0x4000, $0x38;
	[tilespmem:$0x10400] =	vst v63  }
.Ltmp1:
0x9d: {  	_ =	swait.ge [sflag:s3], $0x4000;
	(pc) =	sbr.rel @p0 .LBB2_1-.Ltmp1, $4  }
0x9e: {  	[sflag:s3] =	ssyncset.done $0x0  }
0x9f: {  	[sflag:s3] =	ssyncadd.s32 $0xFFFFC000  }
0xa0: {  	[hbm4b:s30+s2] =	stream.linear.scatter [tilespmem:s13], [sflag:$0x5], $0x4000, $0x38;
	[tilespmem:$0x10400] =	vst v63  }
0xa1: {  	s31 =	sadd.s32 $0xFFFFFFFF, s31;
	_ =	swait.ge [sflag:s3], $0x4000  }
.LBB2_2:
0xa2: {  	[sflag:s3] =	ssyncset.done $0x0  }
0xa3: {  	[sflag:s3] =	ssyncadd.s32 $0xFFFFC000  }
0xa4: {  	_ =	sfence.sel $0x180000  }
0xa5: {  	[bflag:$0x0] =	sbarrier.arrive $0xFFFF  }
0xa6: {  	_ =	strace $0x90000047  }
0xa7: {  	s0 =	stileid.u32;
	[bflag:$0x2] =	sbarrier.arrive $0xFFFF  }
0xa8: {  	p0 =	sne.s32 s0, $0x0;
	s0 =	rddreg [dreg:$0x2]  }
0xa9: {  	s0 =	sadd.s32 @!p0 $0x100000, s0  }
0xaa: {  	[sflag:s0] =	ssyncadd.tile.s32 @!p0 $0x1;
	_ =	shalt  }
.Lfunc_end2:
_tile_overlayer_lowered:
.L_overlay_start_2:
0xab: {  	(tag) =	ssettag $0x2  }
0xac: {  	s0 =	rddreg [dreg:$0x0];
	s2 =	stileid.u32  }
0xad: {  	s1 =	rddreg [dreg:$0x1];
	p0 =	sne.s32 s2, $0x0  }
0xae: {  	s3 =	rddreg [dreg:$0x2];
	[bflag:$0x3] =	sbarrier.arrive $0xFFFF;
	s2 =	simm.s32 @!p0 $0x1C05  }
0xaf: {  	[timem:s3], [sflag:s2] =	dma.local @!p0 [hbm:s0], s1  }
0xb0: {  	s0 =	simm.s32 @!p0 $0x5  }
0xb1: {  	_ =	swait.ge @!p0 [sflag:s0], s1  }
0xb2: {  	s1 =	ssub.s32 @!p0 $0x0, s1;
	[sflag:s0] =	ssyncset.done @!p0 $0x0  }
0xb3: {  	[sflag:s0] =	ssyncadd.s32 @!p0 s1  }
0xb4: {  	[bflag:$0x3] =	sbarrier.arrive $0xFFFF  }
0xb5: {  	_ =	shalt  }

</sc_bundles>
